<compile_context>
chip_gen: v7x
topology: tpu7x:2x2x1
jax: 0.10.2.dev20260603
libtpu: 0.0.44.dev20260713+nightly
codegen_flags: <defaults>
</compile_context>

<pallas_src>
import functools

import jax
import jax.numpy as jnp
from jax import lax
from jax.experimental import pallas as pl
from jax.experimental.pallas import tpu as pltpu
from jax.experimental.pallas import tpu_sc as plsc

_NC = 2
_NS = 16
_NW = _NC * _NS
_L = 16

_N = 8388608
_BLK = 128
_NB = _N // _BLK
_BLK_PER_W = _NB // _NW
_BCHUNK = 64
_NCHUNK = _BLK_PER_W // _BCHUNK


def _conf_body(lg_hbm, gt_hbm, out_hbm,
               lg_v0, lg_v1, lg_v2, lg_v3, gt_v0, gt_v1, gt_v2, gt_v3, res_v,
               sem_lg0, sem_lg1, sem_lg2, sem_lg3,
               sem_gt0, sem_gt1, sem_gt2, sem_gt3):
    cid = lax.axis_index("c")
    sid = lax.axis_index("s")
    wid = cid * _NS + sid
    base = wid * _BLK_PER_W

    zeros = jnp.zeros((_L,), jnp.int32)
    ones = jnp.ones((_L,), jnp.int32)

    lg_bufs = (lg_v0, lg_v1, lg_v2, lg_v3)
    gt_bufs = (gt_v0, gt_v1, gt_v2, gt_v3)
    sem_lg = (sem_lg0, sem_lg1, sem_lg2, sem_lg3)
    sem_gt = (sem_gt0, sem_gt1, sem_gt2, sem_gt3)

    def copies(c, b):
        boff = base + c * _BCHUNK
        h1 = pltpu.make_async_copy(
            lg_hbm.at[pl.ds(boff, _BCHUNK)], lg_bufs[b], sem_lg[b])
        h2 = pltpu.make_async_copy(
            gt_hbm.at[pl.ds(boff * _BLK, _BCHUNK * _BLK)], gt_bufs[b],
            sem_gt[b])
        return h1, h2

    def block_body(lg_b, gt_b, blk, accs2):
        a_p, a_g, a_pg = accs2
        for g in range(_BLK // _L):
            l0 = lg_b[blk, 0, pl.ds(g * _L, _L)]
            l1 = lg_b[blk, 1, pl.ds(g * _L, _L)]
            gt16 = gt_b[pl.ds(blk * _BLK + g * _L, _L)]
            pred = l1 > l0
            a_p = a_p + jnp.where(pred, ones, zeros)
            a_g = a_g + gt16
            a_pg = a_pg + jnp.where(pred, gt16, zeros)
        return (a_p, a_g, a_pg)

    for b in range(4):
        h1, h2 = copies(b, b)
        h1.start()
        h2.start()

    def quad_body(c4, accs):
        for b in range(4):
            c = c4 * 4 + b
            h1, h2 = copies(c, b)
            h1.wait()
            h2.wait()

            accs = lax.fori_loop(
                0, _BCHUNK,
                functools.partial(block_body, lg_bufs[b], gt_bufs[b]),
                accs, unroll=2)

            @pl.when(c + 4 < _NCHUNK)
            def _():
                n1, n2 = copies(c + 4, b)
                n1.start()
                n2.start()
        return accs

    z = jnp.zeros((_L,), jnp.int32)
    acc_p, acc_g, acc_pg = lax.fori_loop(
        0, _NCHUNK // 4, quad_body, (z, z, z))
    res_v[pl.ds(0, _L)] = acc_p
    res_v[pl.ds(_L, _L)] = acc_g
    res_v[pl.ds(2 * _L, _L)] = acc_pg
    pltpu.sync_copy(res_v, out_hbm.at[pl.ds(wid * 3 * _L, 3 * _L)])


_conf = functools.partial(
    pl.kernel,
    mesh=plsc.VectorSubcoreMesh(core_axis_name="c", subcore_axis_name="s"),
    out_type=jax.ShapeDtypeStruct((_NW * 3 * _L,), jnp.int32),
    compiler_params=pltpu.CompilerParams(needs_layout_passes=False),
    scratch_types=(
        [pltpu.VMEM((_BCHUNK, 2, _BLK), jnp.float32)] * 4
        + [pltpu.VMEM((_BCHUNK * _BLK,), jnp.int32)] * 4
        + [pltpu.VMEM((3 * _L,), jnp.int32)]
        + [pltpu.SemaphoreType.DMA] * 8
    ),
)(_conf_body)


def kernel(pred_logits, gt_labels):
    lg = pred_logits.reshape(_NB, _BLK, 2).transpose(0, 2, 1)
    parts = _conf(lg, gt_labels)
    s = parts.reshape(_NW, 3, _L).sum(axis=(0, 2))
    mix = jnp.array([[-1, -1, 1], [0, 1, -1], [1, 0, -1], [0, 0, 1]],
                    dtype=jnp.int32)
    off = jnp.array([pred_logits.shape[0], 0, 0, 0], dtype=jnp.int32)
    return (mix @ s + off).reshape(2, 2)

# --- scband reference (transcript-rebuilt; emitter-appended) ---
"""Pipeline reference for scband-classification-metrics-94489280787 (READ-ONLY COPY).

The authoritative reference and input builder live on the scoring server;
editing this copy changes nothing except your own understanding.
"""

import jax, jax.numpy as jnp
import numpy as np

N_CLASSES = 2
N = 8388608


def setup_inputs(seed: int = 0) -> dict:
    key = jax.random.key(seed)
    k1, k2 = jax.random.split(key)
    pred_logits = jax.random.normal(k1, (N, N_CLASSES), dtype=jnp.float32)
    gt_labels = jax.random.randint(k2, (N,), 0, N_CLASSES, dtype=jnp.int32)
    return {"pred_logits": pred_logits, "gt_labels": gt_labels}


def reference(pred_logits, gt_labels):
    # Faithful translation of ClassificationMetrics.compute_confusion_matrix
    # starting from a zeroed confusion matrix (module buffer init state).
    pred_softmax = jax.nn.softmax(pred_logits, axis=1)
    pred_labels = jnp.argmax(pred_softmax, axis=1).astype(jnp.int32)
    gt = gt_labels.astype(jnp.int32)
    conf_matrix = jnp.zeros((N_CLASSES, N_CLASSES), dtype=jnp.int32)
    # index_put_ with accumulate=True == scatter-add of ones
    conf_matrix = conf_matrix.at[pred_labels, gt].add(1)
    return conf_matrix

if __name__ == "__main__":
    import jax
    _d = setup_inputs()
    print(jax.jit(kernel)(*tuple(_d.values())))

</pallas_src>

<mosaic_0001>
#map = affine_map<(d0, d1) -> (0, 0, 0)>
#map1 = affine_map<(d0, d1) -> (0)>
module attributes {stable_mosaic.version = 14 : i64} {
  func.func @_conf_body(%arg0: i32, %arg1: i32, %arg2: memref<65536x2x128xf32, #tpu.memory_space<hbm>>, %arg3: memref<8388608xi32, #tpu.memory_space<hbm>>, %arg4: memref<1536xi32, #tpu.memory_space<hbm>>, %arg5: memref<64x2x128xf32, #tpu.memory_space<vmem>>, %arg6: memref<64x2x128xf32, #tpu.memory_space<vmem>>, %arg7: memref<64x2x128xf32, #tpu.memory_space<vmem>>, %arg8: memref<64x2x128xf32, #tpu.memory_space<vmem>>, %arg9: memref<8192xi32, #tpu.memory_space<vmem>>, %arg10: memref<8192xi32, #tpu.memory_space<vmem>>, %arg11: memref<8192xi32, #tpu.memory_space<vmem>>, %arg12: memref<8192xi32, #tpu.memory_space<vmem>>, %arg13: memref<48xi32, #tpu.memory_space<vmem>>, %arg14: memref<!tpu.dma_semaphore, #tpu.memory_space<semaphore_mem>>, %arg15: memref<!tpu.dma_semaphore, #tpu.memory_space<semaphore_mem>>, %arg16: memref<!tpu.dma_semaphore, #tpu.memory_space<semaphore_mem>>, %arg17: memref<!tpu.dma_semaphore, #tpu.memory_space<semaphore_mem>>, %arg18: memref<!tpu.dma_semaphore, #tpu.memory_space<semaphore_mem>>, %arg19: memref<!tpu.dma_semaphore, #tpu.memory_space<semaphore_mem>>, %arg20: memref<!tpu.dma_semaphore, #tpu.memory_space<semaphore_mem>>, %arg21: memref<!tpu.dma_semaphore, #tpu.memory_space<semaphore_mem>>) attributes {dimension_semantics = [#tpu.dimension_semantics<core_parallel>, #tpu.dimension_semantics<subcore_parallel>], iteration_bounds = array<i64: 2, 16>, scalar_prefetch = 0 : i64, scratch_operands = 17 : i64, tpu.core_type = #tpu.core_type<sc_vector_subcore>, window_params = [{transform_indices = #map}, {transform_indices = #map1}, {transform_indices = #map1}]} {
    %mul3A = arith.constant 16 : i32
    %mul3A_0 = arith.muli %arg0, %mul3A : i32
    %add3A = arith.addi %mul3A_0, %arg1 : i32
    %mul3A_1 = arith.constant 2048 : i32
    %mul3A_2 = arith.muli %add3A, %mul3A_1 : i32
    %broadcast_in_dim3A = arith.constant 0 : i32
    %broadcast_in_dim3A_3 = vector.broadcast %broadcast_in_dim3A : i32 to vector<16xi32>
    %broadcast_in_dim3A_4 = arith.constant 1 : i32
    %broadcast_in_dim3A_5 = vector.broadcast %broadcast_in_dim3A_4 : i32 to vector<16xi32>
    %add3A_6 = arith.constant 0 : i32
    %add3A_7 = arith.addi %mul3A_2, %add3A_6 : i32
    %mul3A_8 = arith.constant 128 : i32
    %mul3A_9 = arith.muli %add3A_7, %mul3A_8 : i32
    %dma_start3A = arith.constant 0 : i32
    %dma_start3A_10 = arith.constant 0 : i32
    %dma_start3A_11 = tpu.memref_slice %arg2[%add3A_7, %dma_start3A, %dma_start3A_10] : memref<65536x2x128xf32, #tpu.memory_space<hbm>> -> memref<64x2x128xf32, #tpu.memory_space<hbm>>
    %dma_start3A_12 = arith.constant 0 : i32
    %dma_start3A_13 = arith.constant 0 : i32
    %dma_start3A_14 = tpu.memref_slice %arg2[%add3A_7, %dma_start3A_12, %dma_start3A_13] : memref<65536x2x128xf32, #tpu.memory_space<hbm>> -> memref<64x2x128xf32, #tpu.memory_space<hbm>>
    tpu.enqueue_dma source(%dma_start3A_14 : memref<64x2x128xf32, #tpu.memory_space<hbm>>) target(%arg5 : memref<64x2x128xf32, #tpu.memory_space<vmem>>) target_semaphore(%arg14 : memref<!tpu.dma_semaphore, #tpu.memory_space<semaphore_mem>>)
    %dma_start3A_15 = tpu.memref_slice %arg3[%mul3A_9] : memref<8388608xi32, #tpu.memory_space<hbm>> -> memref<8192xi32, #tpu.memory_space<hbm>>
    %dma_start3A_16 = tpu.memref_slice %arg3[%mul3A_9] : memref<8388608xi32, #tpu.memory_space<hbm>> -> memref<8192xi32, #tpu.memory_space<hbm>>
    tpu.enqueue_dma source(%dma_start3A_16 : memref<8192xi32, #tpu.memory_space<hbm>>) target(%arg9 : memref<8192xi32, #tpu.memory_space<vmem>>) target_semaphore(%arg18 : memref<!tpu.dma_semaphore, #tpu.memory_space<semaphore_mem>>)
    %add3A_17 = arith.constant 64 : i32
    %add3A_18 = arith.addi %mul3A_2, %add3A_17 : i32
    %mul3A_19 = arith.constant 128 : i32
    %mul3A_20 = arith.muli %add3A_18, %mul3A_19 : i32
    %dma_start3A_21 = arith.constant 0 : i32
    %dma_start3A_22 = arith.constant 0 : i32
    %dma_start3A_23 = tpu.memref_slice %arg2[%add3A_18, %dma_start3A_21, %dma_start3A_22] : memref<65536x2x128xf32, #tpu.memory_space<hbm>> -> memref<64x2x128xf32, #tpu.memory_space<hbm>>
    %dma_start3A_24 = arith.constant 0 : i32
    %dma_start3A_25 = arith.constant 0 : i32
    %dma_start3A_26 = tpu.memref_slice %arg2[%add3A_18, %dma_start3A_24, %dma_start3A_25] : memref<65536x2x128xf32, #tpu.memory_space<hbm>> -> memref<64x2x128xf32, #tpu.memory_space<hbm>>
    tpu.enqueue_dma source(%dma_start3A_26 : memref<64x2x128xf32, #tpu.memory_space<hbm>>) target(%arg6 : memref<64x2x128xf32, #tpu.memory_space<vmem>>) target_semaphore(%arg15 : memref<!tpu.dma_semaphore, #tpu.memory_space<semaphore_mem>>)
    %dma_start3A_27 = tpu.memref_slice %arg3[%mul3A_20] : memref<8388608xi32, #tpu.memory_space<hbm>> -> memref<8192xi32, #tpu.memory_space<hbm>>
    %dma_start3A_28 = tpu.memref_slice %arg3[%mul3A_20] : memref<8388608xi32, #tpu.memory_space<hbm>> -> memref<8192xi32, #tpu.memory_space<hbm>>
    tpu.enqueue_dma source(%dma_start3A_28 : memref<8192xi32, #tpu.memory_space<hbm>>) target(%arg10 : memref<8192xi32, #tpu.memory_space<vmem>>) target_semaphore(%arg19 : memref<!tpu.dma_semaphore, #tpu.memory_space<semaphore_mem>>)
    %add3A_29 = arith.constant 128 : i32
    %add3A_30 = arith.addi %mul3A_2, %add3A_29 : i32
    %mul3A_31 = arith.constant 128 : i32
    %mul3A_32 = arith.muli %add3A_30, %mul3A_31 : i32
    %dma_start3A_33 = arith.constant 0 : i32
    %dma_start3A_34 = arith.constant 0 : i32
    %dma_start3A_35 = tpu.memref_slice %arg2[%add3A_30, %dma_start3A_33, %dma_start3A_34] : memref<65536x2x128xf32, #tpu.memory_space<hbm>> -> memref<64x2x128xf32, #tpu.memory_space<hbm>>
    %dma_start3A_36 = arith.constant 0 : i32
    %dma_start3A_37 = arith.constant 0 : i32
    %dma_start3A_38 = tpu.memref_slice %arg2[%add3A_30, %dma_start3A_36, %dma_start3A_37] : memref<65536x2x128xf32, #tpu.memory_space<hbm>> -> memref<64x2x128xf32, #tpu.memory_space<hbm>>
    tpu.enqueue_dma source(%dma_start3A_38 : memref<64x2x128xf32, #tpu.memory_space<hbm>>) target(%arg7 : memref<64x2x128xf32, #tpu.memory_space<vmem>>) target_semaphore(%arg16 : memref<!tpu.dma_semaphore, #tpu.memory_space<semaphore_mem>>)
    %dma_start3A_39 = tpu.memref_slice %arg3[%mul3A_32] : memref<8388608xi32, #tpu.memory_space<hbm>> -> memref<8192xi32, #tpu.memory_space<hbm>>
    %dma_start3A_40 = tpu.memref_slice %arg3[%mul3A_32] : memref<8388608xi32, #tpu.memory_space<hbm>> -> memref<8192xi32, #tpu.memory_space<hbm>>
    tpu.enqueue_dma source(%dma_start3A_40 : memref<8192xi32, #tpu.memory_space<hbm>>) target(%arg11 : memref<8192xi32, #tpu.memory_space<vmem>>) target_semaphore(%arg20 : memref<!tpu.dma_semaphore, #tpu.memory_space<semaphore_mem>>)
    %add3A_41 = arith.constant 192 : i32
    %add3A_42 = arith.addi %mul3A_2, %add3A_41 : i32
    %mul3A_43 = arith.constant 128 : i32
    %mul3A_44 = arith.muli %add3A_42, %mul3A_43 : i32
    %dma_start3A_45 = arith.constant 0 : i32
    %dma_start3A_46 = arith.constant 0 : i32
    %dma_start3A_47 = tpu.memref_slice %arg2[%add3A_42, %dma_start3A_45, %dma_start3A_46] : memref<65536x2x128xf32, #tpu.memory_space<hbm>> -> memref<64x2x128xf32, #tpu.memory_space<hbm>>
    %dma_start3A_48 = arith.constant 0 : i32
    %dma_start3A_49 = arith.constant 0 : i32
    %dma_start3A_50 = tpu.memref_slice %arg2[%add3A_42, %dma_start3A_48, %dma_start3A_49] : memref<65536x2x128xf32, #tpu.memory_space<hbm>> -> memref<64x2x128xf32, #tpu.memory_space<hbm>>
    tpu.enqueue_dma source(%dma_start3A_50 : memref<64x2x128xf32, #tpu.memory_space<hbm>>) target(%arg8 : memref<64x2x128xf32, #tpu.memory_space<vmem>>) target_semaphore(%arg17 : memref<!tpu.dma_semaphore, #tpu.memory_space<semaphore_mem>>)
    %dma_start3A_51 = tpu.memref_slice %arg3[%mul3A_44] : memref<8388608xi32, #tpu.memory_space<hbm>> -> memref<8192xi32, #tpu.memory_space<hbm>>
    %dma_start3A_52 = tpu.memref_slice %arg3[%mul3A_44] : memref<8388608xi32, #tpu.memory_space<hbm>> -> memref<8192xi32, #tpu.memory_space<hbm>>
    tpu.enqueue_dma source(%dma_start3A_52 : memref<8192xi32, #tpu.memory_space<hbm>>) target(%arg12 : memref<8192xi32, #tpu.memory_space<vmem>>) target_semaphore(%arg21 : memref<!tpu.dma_semaphore, #tpu.memory_space<semaphore_mem>>)
    %broadcast_in_dim3A_53 = arith.constant 0 : i32
    %broadcast_in_dim3A_54 = vector.broadcast %broadcast_in_dim3A_53 : i32 to vector<16xi32>
    %scan3A = arith.constant 0 : i32
    %scan3A_55 = arith.constant 8 : i32
    %scan3A_56 = arith.addi %scan3A, %scan3A_55 : i32
    %scan3A_57 = arith.constant 1 : i32
    %scan3A_58:3 = scf.for %scan3A_69 = %scan3A to %scan3A_56 step %scan3A_57 iter_args(%scan3A_70 = %broadcast_in_dim3A_54, %scan3A_71 = %broadcast_in_dim3A_54, %scan3A_72 = %broadcast_in_dim3A_54) -> (vector<16xi32>, vector<16xi32>, vector<16xi32>)  : i32 {
      %mul3A_73 = arith.constant 4 : i32
      %mul3A_74 = arith.muli %scan3A_69, %mul3A_73 : i32
      %add3A_75 = arith.constant 0 : i32
      %add3A_76 = arith.addi %mul3A_74, %add3A_75 : i32
      %mul3A_77 = arith.constant 64 : i32
      %mul3A_78 = arith.muli %add3A_76, %mul3A_77 : i32
      %add3A_79 = arith.addi %mul3A_2, %mul3A_78 : i32
      %mul3A_80 = arith.constant 128 : i32
      %mul3A_81 = arith.muli %add3A_79, %mul3A_80 : i32
      %dma_wait3A = arith.constant 0 : i32
      %dma_wait3A_82 = arith.constant 0 : i32
      %dma_wait3A_83 = tpu.memref_slice %arg2[%add3A_79, %dma_wait3A, %dma_wait3A_82] : memref<65536x2x128xf32, #tpu.memory_space<hbm>> -> memref<64x2x128xf32, #tpu.memory_space<hbm>>
      %dma_wait3A_84 = arith.constant 0 : i32
      %dma_wait3A_85 = arith.constant 0 : i32
      %dma_wait3A_86 = tpu.memref_slice %arg2[%add3A_79, %dma_wait3A_84, %dma_wait3A_85] : memref<65536x2x128xf32, #tpu.memory_space<hbm>> -> memref<64x2x128xf32, #tpu.memory_space<hbm>>
      tpu.wait_dma2 semaphore(%arg14 : memref<!tpu.dma_semaphore, #tpu.memory_space<semaphore_mem>>) src(%dma_wait3A_86 : memref<64x2x128xf32, #tpu.memory_space<hbm>>) dst(%arg5 : memref<64x2x128xf32, #tpu.memory_space<vmem>>)
      %dma_wait3A_87 = tpu.memref_slice %arg3[%mul3A_81] : memref<8388608xi32, #tpu.memory_space<hbm>> -> memref<8192xi32, #tpu.memory_space<hbm>>
      %dma_wait3A_88 = tpu.memref_slice %arg3[%mul3A_81] : memref<8388608xi32, #tpu.memory_space<hbm>> -> memref<8192xi32, #tpu.memory_space<hbm>>
      tpu.wait_dma2 semaphore(%arg18 : memref<!tpu.dma_semaphore, #tpu.memory_space<semaphore_mem>>) src(%dma_wait3A_88 : memref<8192xi32, #tpu.memory_space<hbm>>) dst(%arg9 : memref<8192xi32, #tpu.memory_space<vmem>>)
      %scan3A_89 = arith.constant 0 : i32
      %scan3A_90 = arith.constant 64 : i32
      %scan3A_91 = arith.addi %scan3A_89, %scan3A_90 : i32
      %scan3A_92 = arith.constant 2 : i32
      %scan3A_93:3 = scf.for %scan3A_189 = %scan3A_89 to %scan3A_91 step %scan3A_92 iter_args(%scan3A_190 = %scan3A_70, %scan3A_191 = %scan3A_71, %scan3A_192 = %scan3A_72) -> (vector<16xi32>, vector<16xi32>, vector<16xi32>)  : i32 {
        %get3A = arith.constant 0 : i32
        %get3A_193 = arith.index_cast %scan3A_189 : i32 to index
        %get3A_194 = arith.index_cast %get3A : i32 to index
        %get3A_195 = arith.constant 0 : index
        %get3A_196 = tpu.vector_load %arg5[%get3A_193, %get3A_194, %get3A_195] {strides = array<i32>} : memref<64x2x128xf32, #tpu.memory_space<vmem>>, vector<16xf32>,
        %get3A_197 = arith.constant 1 : i32
        %get3A_198 = arith.index_cast %scan3A_189 : i32 to index
        %get3A_199 = arith.index_cast %get3A_197 : i32 to index
        %get3A_200 = arith.constant 0 : index
        %get3A_201 = tpu.vector_load %arg5[%get3A_198, %get3A_199, %get3A_200] {strides = array<i32>} : memref<64x2x128xf32, #tpu.memory_space<vmem>>, vector<16xf32>,
        %mul3A_202 = arith.constant 128 : i32
        %mul3A_203 = arith.muli %scan3A_189, %mul3A_202 : i32
        %add3A_204 = arith.constant 0 : i32
        %add3A_205 = arith.addi %mul3A_203, %add3A_204 : i32
        %get3A_206 = arith.index_cast %add3A_205 : i32 to index
        %get3A_207 = tpu.vector_load %arg9[%get3A_206] {strides = array<i32>} : memref<8192xi32, #tpu.memory_space<vmem>>, vector<16xi32>,
        %gt3A = arith.cmpf ogt, %get3A_201, %get3A_196 : vector<16xf32>
        %select_n3A = arith.select %gt3A, %broadcast_in_dim3A_5, %broadcast_in_dim3A_3 : vector<16xi1>, vector<16xi32>
        %add3A_208 = arith.addi %scan3A_190, %select_n3A : vector<16xi32>
        %add3A_209 = arith.addi %scan3A_191, %get3A_207 : vector<16xi32>
        %select_n3A_210 = arith.select %gt3A, %get3A_207, %broadcast_in_dim3A_3 : vector<16xi1>, vector<16xi32>
        %add3A_211 = arith.addi %scan3A_192, %select_n3A_210 : vector<16xi32>
        %get3A_212 = arith.constant 0 : i32
        %get3A_213 = arith.index_cast %scan3A_189 : i32 to index
        %get3A_214 = arith.index_cast %get3A_212 : i32 to index
        %get3A_215 = arith.constant 16 : index
        %get3A_216 = tpu.vector_load %arg5[%get3A_213, %get3A_214, %get3A_215] {strides = array<i32>} : memref<64x2x128xf32, #tpu.memory_space<vmem>>, vector<16xf32>,
        %get3A_217 = arith.constant 1 : i32
        %get3A_218 = arith.index_cast %scan3A_189 : i32 to index
        %get3A_219 = arith.index_cast %get3A_217 : i32 to index
        %get3A_220 = arith.constant 16 : index
        %get3A_221 = tpu.vector_load %arg5[%get3A_218, %get3A_219, %get3A_220] {strides = array<i32>} : memref<64x2x128xf32, #tpu.memory_space<vmem>>, vector<16xf32>,
        %mul3A_222 = arith.constant 128 : i32
        %mul3A_223 = arith.muli %scan3A_189, %mul3A_222 : i32
        %add3A_224 = arith.constant 16 : i32
        %add3A_225 = arith.addi %mul3A_223, %add3A_224 : i32
        %get3A_226 = arith.index_cast %add3A_225 : i32 to index
        %get3A_227 = tpu.vector_load %arg9[%get3A_226] {strides = array<i32>} : memref<8192xi32, #tpu.memory_space<vmem>>, vector<16xi32>,
        %gt3A_228 = arith.cmpf ogt, %get3A_221, %get3A_216 : vector<16xf32>
        %select_n3A_229 = arith.select %gt3A_228, %broadcast_in_dim3A_5, %broadcast_in_dim3A_3 : vector<16xi1>, vector<16xi32>
        %add3A_230 = arith.addi %add3A_208, %select_n3A_229 : vector<16xi32>
        %add3A_231 = arith.addi %add3A_209, %get3A_227 : vector<16xi32>
        %select_n3A_232 = arith.select %gt3A_228, %get3A_227, %broadcast_in_dim3A_3 : vector<16xi1>, vector<16xi32>
        %add3A_233 = arith.addi %add3A_211, %select_n3A_232 : vector<16xi32>
        %get3A_234 = arith.constant 0 : i32
        %get3A_235 = arith.index_cast %scan3A_189 : i32 to index
        %get3A_236 = arith.index_cast %get3A_234 : i32 to index
        %get3A_237 = arith.constant 32 : index
        %get3A_238 = tpu.vector_load %arg5[%get3A_235, %get3A_236, %get3A_237] {strides = array<i32>} : memref<64x2x128xf32, #tpu.memory_space<vmem>>, vector<16xf32>,
        %get3A_239 = arith.constant 1 : i32
        %get3A_240 = arith.index_cast %scan3A_189 : i32 to index
        %get3A_241 = arith.index_cast %get3A_239 : i32 to index
        %get3A_242 = arith.constant 32 : index
        %get3A_243 = tpu.vector_load %arg5[%get3A_240, %get3A_241, %get3A_242] {strides = array<i32>} : memref<64x2x128xf32, #tpu.memory_space<vmem>>, vector<16xf32>,
        %mul3A_244 = arith.constant 128 : i32
        %mul3A_245 = arith.muli %scan3A_189, %mul3A_244 : i32
        %add3A_246 = arith.constant 32 : i32
        %add3A_247 = arith.addi %mul3A_245, %add3A_246 : i32
        %get3A_248 = arith.index_cast %add3A_247 : i32 to index
        %get3A_249 = tpu.vector_load %arg9[%get3A_248] {strides = array<i32>} : memref<8192xi32, #tpu.memory_space<vmem>>, vector<16xi32>,
        %gt3A_250 = arith.cmpf ogt, %get3A_243, %get3A_238 : vector<16xf32>
        %select_n3A_251 = arith.select %gt3A_250, %broadcast_in_dim3A_5, %broadcast_in_dim3A_3 : vector<16xi1>, vector<16xi32>
        %add3A_252 = arith.addi %add3A_230, %select_n3A_251 : vector<16xi32>
        %add3A_253 = arith.addi %add3A_231, %get3A_249 : vector<16xi32>
        %select_n3A_254 = arith.select %gt3A_250, %get3A_249, %broadcast_in_dim3A_3 : vector<16xi1>, vector<16xi32>
        %add3A_255 = arith.addi %add3A_233, %select_n3A_254 : vector<16xi32>
        %get3A_256 = arith.constant 0 : i32
        %get3A_257 = arith.index_cast %scan3A_189 : i32 to index
        %get3A_258 = arith.index_cast %get3A_256 : i32 to index
        %get3A_259 = arith.constant 48 : index
        %get3A_260 = tpu.vector_load %arg5[%get3A_257, %get3A_258, %get3A_259] {strides = array<i32>} : memref<64x2x128xf32, #tpu.memory_space<vmem>>, vector<16xf32>,
        %get3A_261 = arith.constant 1 : i32
        %get3A_262 = arith.index_cast %scan3A_189 : i32 to index
        %get3A_263 = arith.index_cast %get3A_261 : i32 to index
        %get3A_264 = arith.constant 48 : index
        %get3A_265 = tpu.vector_load %arg5[%get3A_262, %get3A_263, %get3A_264] {strides = array<i32>} : memref<64x2x128xf32, #tpu.memory_space<vmem>>, vector<16xf32>,
        %mul3A_266 = arith.constant 128 : i32
        %mul3A_267 = arith.muli %scan3A_189, %mul3A_266 : i32
        %add3A_268 = arith.constant 48 : i32
        %add3A_269 = arith.addi %mul3A_267, %add3A_268 : i32
        %get3A_270 = arith.index_cast %add3A_269 : i32 to index
        %get3A_271 = tpu.vector_load %arg9[%get3A_270] {strides = array<i32>} : memref<8192xi32, #tpu.memory_space<vmem>>, vector<16xi32>,
        %gt3A_272 = arith.cmpf ogt, %get3A_265, %get3A_260 : vector<16xf32>
        %select_n3A_273 = arith.select %gt3A_272, %broadcast_in_dim3A_5, %broadcast_in_dim3A_3 : vector<16xi1>, vector<16xi32>
        %add3A_274 = arith.addi %add3A_252, %select_n3A_273 : vector<16xi32>
        %add3A_275 = arith.addi %add3A_253, %get3A_271 : vector<16xi32>
        %select_n3A_276 = arith.select %gt3A_272, %get3A_271, %broadcast_in_dim3A_3 : vector<16xi1>, vector<16xi32>
        %add3A_277 = arith.addi %add3A_255, %select_n3A_276 : vector<16xi32>
        %get3A_278 = arith.constant 0 : i32
        %get3A_279 = arith.index_cast %scan3A_189 : i32 to index
        %get3A_280 = arith.index_cast %get3A_278 : i32 to index
        %get3A_281 = arith.constant 64 : index
        %get3A_282 = tpu.vector_load %arg5[%get3A_279, %get3A_280, %get3A_281] {strides = array<i32>} : memref<64x2x128xf32, #tpu.memory_space<vmem>>, vector<16xf32>,
        %get3A_283 = arith.constant 1 : i32
        %get3A_284 = arith.index_cast %scan3A_189 : i32 to index
        %get3A_285 = arith.index_cast %get3A_283 : i32 to index
        %get3A_286 = arith.constant 64 : index
        %get3A_287 = tpu.vector_load %arg5[%get3A_284, %get3A_285, %get3A_286] {strides = array<i32>} : memref<64x2x128xf32, #tpu.memory_space<vmem>>, vector<16xf32>,
        %mul3A_288 = arith.constant 128 : i32
        %mul3A_289 = arith.muli %scan3A_189, %mul3A_288 : i32
        %add3A_290 = arith.constant 64 : i32
        %add3A_291 = arith.addi %mul3A_289, %add3A_290 : i32
        %get3A_292 = arith.index_cast %add3A_291 : i32 to index
        %get3A_293 = tpu.vector_load %arg9[%get3A_292] {strides = array<i32>} : memref<8192xi32, #tpu.memory_space<vmem>>, vector<16xi32>,
        %gt3A_294 = arith.cmpf ogt, %get3A_287, %get3A_282 : vector<16xf32>
        %select_n3A_295 = arith.select %gt3A_294, %broadcast_in_dim3A_5, %broadcast_in_dim3A_3 : vector<16xi1>, vector<16xi32>
        %add3A_296 = arith.addi %add3A_274, %select_n3A_295 : vector<16xi32>
        %add3A_297 = arith.addi %add3A_275, %get3A_293 : vector<16xi32>
        %select_n3A_298 = arith.select %gt3A_294, %get3A_293, %broadcast_in_dim3A_3 : vector<16xi1>, vector<16xi32>
        %add3A_299 = arith.addi %add3A_277, %select_n3A_298 : vector<16xi32>
        %get3A_300 = arith.constant 0 : i32
        %get3A_301 = arith.index_cast %scan3A_189 : i32 to index
        %get3A_302 = arith.index_cast %get3A_300 : i32 to index
        %get3A_303 = arith.constant 80 : index
        %get3A_304 = tpu.vector_load %arg5[%get3A_301, %get3A_302, %get3A_303] {strides = array<i32>} : memref<64x2x128xf32, #tpu.memory_space<vmem>>, vector<16xf32>,
        %get3A_305 = arith.constant 1 : i32
        %get3A_306 = arith.index_cast %scan3A_189 : i32 to index
        %get3A_307 = arith.index_cast %get3A_305 : i32 to index
        %get3A_308 = arith.constant 80 : index
        %get3A_309 = tpu.vector_load %arg5[%get3A_306, %get3A_307, %get3A_308] {strides = array<i32>} : memref<64x2x128xf32, #tpu.memory_space<vmem>>, vector<16xf32>,
        %mul3A_310 = arith.constant 128 : i32
        %mul3A_311 = arith.muli %scan3A_189, %mul3A_310 : i32
        %add3A_312 = arith.constant 80 : i32
        %add3A_313 = arith.addi %mul3A_311, %add3A_312 : i32
        %get3A_314 = arith.index_cast %add3A_313 : i32 to index
        %get3A_315 = tpu.vector_load %arg9[%get3A_314] {strides = array<i32>} : memref<8192xi32, #tpu.memory_space<vmem>>, vector<16xi32>,
        %gt3A_316 = arith.cmpf ogt, %get3A_309, %get3A_304 : vector<16xf32>
        %select_n3A_317 = arith.select %gt3A_316, %broadcast_in_dim3A_5, %broadcast_in_dim3A_3 : vector<16xi1>, vector<16xi32>
        %add3A_318 = arith.addi %add3A_296, %select_n3A_317 : vector<16xi32>
        %add3A_319 = arith.addi %add3A_297, %get3A_315 : vector<16xi32>
        %select_n3A_320 = arith.select %gt3A_316, %get3A_315, %broadcast_in_dim3A_3 : vector<16xi1>, vector<16xi32>
        %add3A_321 = arith.addi %add3A_299, %select_n3A_320 : vector<16xi32>
        %get3A_322 = arith.constant 0 : i32
        %get3A_323 = arith.index_cast %scan3A_189 : i32 to index
        %get3A_324 = arith.index_cast %get3A_322 : i32 to index
        %get3A_325 = arith.constant 96 : index
        %get3A_326 = tpu.vector_load %arg5[%get3A_323, %get3A_324, %get3A_325] {strides = array<i32>} : memref<64x2x128xf32, #tpu.memory_space<vmem>>, vector<16xf32>,
        %get3A_327 = arith.constant 1 : i32
        %get3A_328 = arith.index_cast %scan3A_189 : i32 to index
        %get3A_329 = arith.index_cast %get3A_327 : i32 to index
        %get3A_330 = arith.constant 96 : index
        %get3A_331 = tpu.vector_load %arg5[%get3A_328, %get3A_329, %get3A_330] {strides = array<i32>} : memref<64x2x128xf32, #tpu.memory_space<vmem>>, vector<16xf32>,
        %mul3A_332 = arith.constant 128 : i32
        %mul3A_333 = arith.muli %scan3A_189, %mul3A_332 : i32
        %add3A_334 = arith.constant 96 : i32
        %add3A_335 = arith.addi %mul3A_333, %add3A_334 : i32
        %get3A_336 = arith.index_cast %add3A_335 : i32 to index
        %get3A_337 = tpu.vector_load %arg9[%get3A_336] {strides = array<i32>} : memref<8192xi32, #tpu.memory_space<vmem>>, vector<16xi32>,
        %gt3A_338 = arith.cmpf ogt, %get3A_331, %get3A_326 : vector<16xf32>
        %select_n3A_339 = arith.select %gt3A_338, %broadcast_in_dim3A_5, %broadcast_in_dim3A_3 : vector<16xi1>, vector<16xi32>
        %add3A_340 = arith.addi %add3A_318, %select_n3A_339 : vector<16xi32>
        %add3A_341 = arith.addi %add3A_319, %get3A_337 : vector<16xi32>
        %select_n3A_342 = arith.select %gt3A_338, %get3A_337, %broadcast_in_dim3A_3 : vector<16xi1>, vector<16xi32>
        %add3A_343 = arith.addi %add3A_321, %select_n3A_342 : vector<16xi32>
        %get3A_344 = arith.constant 0 : i32
        %get3A_345 = arith.index_cast %scan3A_189 : i32 to index
        %get3A_346 = arith.index_cast %get3A_344 : i32 to index
        %get3A_347 = arith.constant 112 : index
        %get3A_348 = tpu.vector_load %arg5[%get3A_345, %get3A_346, %get3A_347] {strides = array<i32>} : memref<64x2x128xf32, #tpu.memory_space<vmem>>, vector<16xf32>,
        %get3A_349 = arith.constant 1 : i32
        %get3A_350 = arith.index_cast %scan3A_189 : i32 to index
        %get3A_351 = arith.index_cast %get3A_349 : i32 to index
        %get3A_352 = arith.constant 112 : index
        %get3A_353 = tpu.vector_load %arg5[%get3A_350, %get3A_351, %get3A_352] {strides = array<i32>} : memref<64x2x128xf32, #tpu.memory_space<vmem>>, vector<16xf32>,
        %mul3A_354 = arith.constant 128 : i32
        %mul3A_355 = arith.muli %scan3A_189, %mul3A_354 : i32
        %add3A_356 = arith.constant 112 : i32
        %add3A_357 = arith.addi %mul3A_355, %add3A_356 : i32
        %get3A_358 = arith.index_cast %add3A_357 : i32 to index
        %get3A_359 = tpu.vector_load %arg9[%get3A_358] {strides = array<i32>} : memref<8192xi32, #tpu.memory_space<vmem>>, vector<16xi32>,
        %gt3A_360 = arith.cmpf ogt, %get3A_353, %get3A_348 : vector<16xf32>
        %select_n3A_361 = arith.select %gt3A_360, %broadcast_in_dim3A_5, %broadcast_in_dim3A_3 : vector<16xi1>, vector<16xi32>
        %add3A_362 = arith.addi %add3A_340, %select_n3A_361 : vector<16xi32>
        %add3A_363 = arith.addi %add3A_341, %get3A_359 : vector<16xi32>
        %select_n3A_364 = arith.select %gt3A_360, %get3A_359, %broadcast_in_dim3A_3 : vector<16xi1>, vector<16xi32>
        %add3A_365 = arith.addi %add3A_343, %select_n3A_364 : vector<16xi32>
        %scan3A_366 = arith.constant 1 : i32
        %scan3A_367 = arith.addi %scan3A_189, %scan3A_366 : i32
        %get3A_368 = arith.constant 0 : i32
        %get3A_369 = arith.index_cast %scan3A_367 : i32 to index
        %get3A_370 = arith.index_cast %get3A_368 : i32 to index
        %get3A_371 = arith.constant 0 : index
        %get3A_372 = tpu.vector_load %arg5[%get3A_369, %get3A_370, %get3A_371] {strides = array<i32>} : memref<64x2x128xf32, #tpu.memory_space<vmem>>, vector<16xf32>,
        %get3A_373 = arith.constant 1 : i32
        %get3A_374 = arith.index_cast %scan3A_367 : i32 to index
        %get3A_375 = arith.index_cast %get3A_373 : i32 to index
        %get3A_376 = arith.constant 0 : index
        %get3A_377 = tpu.vector_load %arg5[%get3A_374, %get3A_375, %get3A_376] {strides = array<i32>} : memref<64x2x128xf32, #tpu.memory_space<vmem>>, vector<16xf32>,
        %mul3A_378 = arith.constant 128 : i32
        %mul3A_379 = arith.muli %scan3A_367, %mul3A_378 : i32
        %add3A_380 = arith.constant 0 : i32
        %add3A_381 = arith.addi %mul3A_379, %add3A_380 : i32
        %get3A_382 = arith.index_cast %add3A_381 : i32 to index
        %get3A_383 = tpu.vector_load %arg9[%get3A_382] {strides = array<i32>} : memref<8192xi32, #tpu.memory_space<vmem>>, vector<16xi32>,
        %gt3A_384 = arith.cmpf ogt, %get3A_377, %get3A_372 : vector<16xf32>
        %select_n3A_385 = arith.select %gt3A_384, %broadcast_in_dim3A_5, %broadcast_in_dim3A_3 : vector<16xi1>, vector<16xi32>
        %add3A_386 = arith.addi %add3A_362, %select_n3A_385 : vector<16xi32>
        %add3A_387 = arith.addi %add3A_363, %get3A_383 : vector<16xi32>
        %select_n3A_388 = arith.select %gt3A_384, %get3A_383, %broadcast_in_dim3A_3 : vector<16xi1>, vector<16xi32>
        %add3A_389 = arith.addi %add3A_365, %select_n3A_388 : vector<16xi32>
        %get3A_390 = arith.constant 0 : i32
        %get3A_391 = arith.index_cast %scan3A_367 : i32 to index
        %get3A_392 = arith.index_cast %get3A_390 : i32 to index
        %get3A_393 = arith.constant 16 : index
        %get3A_394 = tpu.vector_load %arg5[%get3A_391, %get3A_392, %get3A_393] {strides = array<i32>} : memref<64x2x128xf32, #tpu.memory_space<vmem>>, vector<16xf32>,
        %get3A_395 = arith.constant 1 : i32
        %get3A_396 = arith.index_cast %scan3A_367 : i32 to index
        %get3A_397 = arith.index_cast %get3A_395 : i32 to index
        %get3A_398 = arith.constant 16 : index
        %get3A_399 = tpu.vector_load %arg5[%get3A_396, %get3A_397, %get3A_398] {strides = array<i32>} : memref<64x2x128xf32, #tpu.memory_space<vmem>>, vector<16xf32>,
        %mul3A_400 = arith.constant 128 : i32
        %mul3A_401 = arith.muli %scan3A_367, %mul3A_400 : i32
        %add3A_402 = arith.constant 16 : i32
        %add3A_403 = arith.addi %mul3A_401, %add3A_402 : i32
        %get3A_404 = arith.index_cast %add3A_403 : i32 to index
        %get3A_405 = tpu.vector_load %arg9[%get3A_404] {strides = array<i32>} : memref<8192xi32, #tpu.memory_space<vmem>>, vector<16xi32>,
        %gt3A_406 = arith.cmpf ogt, %get3A_399, %get3A_394 : vector<16xf32>
        %select_n3A_407 = arith.select %gt3A_406, %broadcast_in_dim3A_5, %broadcast_in_dim3A_3 : vector<16xi1>, vector<16xi32>
        %add3A_408 = arith.addi %add3A_386, %select_n3A_407 : vector<16xi32>
        %add3A_409 = arith.addi %add3A_387, %get3A_405 : vector<16xi32>
        %select_n3A_410 = arith.select %gt3A_406, %get3A_405, %broadcast_in_dim3A_3 : vector<16xi1>, vector<16xi32>
        %add3A_411 = arith.addi %add3A_389, %select_n3A_410 : vector<16xi32>
        %get3A_412 = arith.constant 0 : i32
        %get3A_413 = arith.index_cast %scan3A_367 : i32 to index
        %get3A_414 = arith.index_cast %get3A_412 : i32 to index
        %get3A_415 = arith.constant 32 : index
        %get3A_416 = tpu.vector_load %arg5[%get3A_413, %get3A_414, %get3A_415] {strides = array<i32>} : memref<64x2x128xf32, #tpu.memory_space<vmem>>, vector<16xf32>,
        %get3A_417 = arith.constant 1 : i32
        %get3A_418 = arith.index_cast %scan3A_367 : i32 to index
        %get3A_419 = arith.index_cast %get3A_417 : i32 to index
        %get3A_420 = arith.constant 32 : index
        %get3A_421 = tpu.vector_load %arg5[%get3A_418, %get3A_419, %get3A_420] {strides = array<i32>} : memref<64x2x128xf32, #tpu.memory_space<vmem>>, vector<16xf32>,
        %mul3A_422 = arith.constant 128 : i32
        %mul3A_423 = arith.muli %scan3A_367, %mul3A_422 : i32
        %add3A_424 = arith.constant 32 : i32
        %add3A_425 = arith.addi %mul3A_423, %add3A_424 : i32
        %get3A_426 = arith.index_cast %add3A_425 : i32 to index
        %get3A_427 = tpu.vector_load %arg9[%get3A_426] {strides = array<i32>} : memref<8192xi32, #tpu.memory_space<vmem>>, vector<16xi32>,
        %gt3A_428 = arith.cmpf ogt, %get3A_421, %get3A_416 : vector<16xf32>
        %select_n3A_429 = arith.select %gt3A_428, %broadcast_in_dim3A_5, %broadcast_in_dim3A_3 : vector<16xi1>, vector<16xi32>
        %add3A_430 = arith.addi %add3A_408, %select_n3A_429 : vector<16xi32>
        %add3A_431 = arith.addi %add3A_409, %get3A_427 : vector<16xi32>
        %select_n3A_432 = arith.select %gt3A_428, %get3A_427, %broadcast_in_dim3A_3 : vector<16xi1>, vector<16xi32>
        %add3A_433 = arith.addi %add3A_411, %select_n3A_432 : vector<16xi32>
        %get3A_434 = arith.constant 0 : i32
        %get3A_435 = arith.index_cast %scan3A_367 : i32 to index
        %get3A_436 = arith.index_cast %get3A_434 : i32 to index
        %get3A_437 = arith.constant 48 : index
        %get3A_438 = tpu.vector_load %arg5[%get3A_435, %get3A_436, %get3A_437] {strides = array<i32>} : memref<64x2x128xf32, #tpu.memory_space<vmem>>, vector<16xf32>,
        %get3A_439 = arith.constant 1 : i32
        %get3A_440 = arith.index_cast %scan3A_367 : i32 to index
        %get3A_441 = arith.index_cast %get3A_439 : i32 to index
        %get3A_442 = arith.constant 48 : index
        %get3A_443 = tpu.vector_load %arg5[%get3A_440, %get3A_441, %get3A_442] {strides = array<i32>} : memref<64x2x128xf32, #tpu.memory_space<vmem>>, vector<16xf32>,
        %mul3A_444 = arith.constant 128 : i32
        %mul3A_445 = arith.muli %scan3A_367, %mul3A_444 : i32
        %add3A_446 = arith.constant 48 : i32
        %add3A_447 = arith.addi %mul3A_445, %add3A_446 : i32
        %get3A_448 = arith.index_cast %add3A_447 : i32 to index
        %get3A_449 = tpu.vector_load %arg9[%get3A_448] {strides = array<i32>} : memref<8192xi32, #tpu.memory_space<vmem>>, vector<16xi32>,
        %gt3A_450 = arith.cmpf ogt, %get3A_443, %get3A_438 : vector<16xf32>
        %select_n3A_451 = arith.select %gt3A_450, %broadcast_in_dim3A_5, %broadcast_in_dim3A_3 : vector<16xi1>, vector<16xi32>
        %add3A_452 = arith.addi %add3A_430, %select_n3A_451 : vector<16xi32>
        %add3A_453 = arith.addi %add3A_431, %get3A_449 : vector<16xi32>
        %select_n3A_454 = arith.select %gt3A_450, %get3A_449, %broadcast_in_dim3A_3 : vector<16xi1>, vector<16xi32>
        %add3A_455 = arith.addi %add3A_433, %select_n3A_454 : vector<16xi32>
        %get3A_456 = arith.constant 0 : i32
        %get3A_457 = arith.index_cast %scan3A_367 : i32 to index
        %get3A_458 = arith.index_cast %get3A_456 : i32 to index
        %get3A_459 = arith.constant 64 : index
        %get3A_460 = tpu.vector_load %arg5[%get3A_457, %get3A_458, %get3A_459] {strides = array<i32>} : memref<64x2x128xf32, #tpu.memory_space<vmem>>, vector<16xf32>,
        %get3A_461 = arith.constant 1 : i32
        %get3A_462 = arith.index_cast %scan3A_367 : i32 to index
        %get3A_463 = arith.index_cast %get3A_461 : i32 to index
        %get3A_464 = arith.constant 64 : index
        %get3A_465 = tpu.vector_load %arg5[%get3A_462, %get3A_463, %get3A_464] {strides = array<i32>} : memref<64x2x128xf32, #tpu.memory_space<vmem>>, vector<16xf32>,
        %mul3A_466 = arith.constant 128 : i32
        %mul3A_467 = arith.muli %scan3A_367, %mul3A_466 : i32
        %add3A_468 = arith.constant 64 : i32
        %add3A_469 = arith.addi %mul3A_467, %add3A_468 : i32
        %get3A_470 = arith.index_cast %add3A_469 : i32 to index
        %get3A_471 = tpu.vector_load %arg9[%get3A_470] {strides = array<i32>} : memref<8192xi32, #tpu.memory_space<vmem>>, vector<16xi32>,
        %gt3A_472 = arith.cmpf ogt, %get3A_465, %get3A_460 : vector<16xf32>
        %select_n3A_473 = arith.select %gt3A_472, %broadcast_in_dim3A_5, %broadcast_in_dim3A_3 : vector<16xi1>, vector<16xi32>
        %add3A_474 = arith.addi %add3A_452, %select_n3A_473 : vector<16xi32>
        %add3A_475 = arith.addi %add3A_453, %get3A_471 : vector<16xi32>
        %select_n3A_476 = arith.select %gt3A_472, %get3A_471, %broadcast_in_dim3A_3 : vector<16xi1>, vector<16xi32>
        %add3A_477 = arith.addi %add3A_455, %select_n3A_476 : vector<16xi32>
        %get3A_478 = arith.constant 0 : i32
        %get3A_479 = arith.index_cast %scan3A_367 : i32 to index
        %get3A_480 = arith.index_cast %get3A_478 : i32 to index
        %get3A_481 = arith.constant 80 : index
        %get3A_482 = tpu.vector_load %arg5[%get3A_479, %get3A_480, %get3A_481] {strides = array<i32>} : memref<64x2x128xf32, #tpu.memory_space<vmem>>, vector<16xf32>,
        %get3A_483 = arith.constant 1 : i32
        %get3A_484 = arith.index_cast %scan3A_367 : i32 to index
        %get3A_485 = arith.index_cast %get3A_483 : i32 to index
        %get3A_486 = arith.constant 80 : index
        %get3A_487 = tpu.vector_load %arg5[%get3A_484, %get3A_485, %get3A_486] {strides = array<i32>} : memref<64x2x128xf32, #tpu.memory_space<vmem>>, vector<16xf32>,
        %mul3A_488 = arith.constant 128 : i32
        %mul3A_489 = arith.muli %scan3A_367, %mul3A_488 : i32
        %add3A_490 = arith.constant 80 : i32
        %add3A_491 = arith.addi %mul3A_489, %add3A_490 : i32
        %get3A_492 = arith.index_cast %add3A_491 : i32 to index
        %get3A_493 = tpu.vector_load %arg9[%get3A_492] {strides = array<i32>} : memref<8192xi32, #tpu.memory_space<vmem>>, vector<16xi32>,
        %gt3A_494 = arith.cmpf ogt, %get3A_487, %get3A_482 : vector<16xf32>
        %select_n3A_495 = arith.select %gt3A_494, %broadcast_in_dim3A_5, %broadcast_in_dim3A_3 : vector<16xi1>, vector<16xi32>
        %add3A_496 = arith.addi %add3A_474, %select_n3A_495 : vector<16xi32>
        %add3A_497 = arith.addi %add3A_475, %get3A_493 : vector<16xi32>
        %select_n3A_498 = arith.select %gt3A_494, %get3A_493, %broadcast_in_dim3A_3 : vector<16xi1>, vector<16xi32>
        %add3A_499 = arith.addi %add3A_477, %select_n3A_498 : vector<16xi32>
        %get3A_500 = arith.constant 0 : i32
        %get3A_501 = arith.index_cast %scan3A_367 : i32 to index
        %get3A_502 = arith.index_cast %get3A_500 : i32 to index
        %get3A_503 = arith.constant 96 : index
        %get3A_504 = tpu.vector_load %arg5[%get3A_501, %get3A_502, %get3A_503] {strides = array<i32>} : memref<64x2x128xf32, #tpu.memory_space<vmem>>, vector<16xf32>,
        %get3A_505 = arith.constant 1 : i32
        %get3A_506 = arith.index_cast %scan3A_367 : i32 to index
        %get3A_507 = arith.index_cast %get3A_505 : i32 to index
        %get3A_508 = arith.constant 96 : index
        %get3A_509 = tpu.vector_load %arg5[%get3A_506, %get3A_507, %get3A_508] {strides = array<i32>} : memref<64x2x128xf32, #tpu.memory_space<vmem>>, vector<16xf32>,
        %mul3A_510 = arith.constant 128 : i32
        %mul3A_511 = arith.muli %scan3A_367, %mul3A_510 : i32
        %add3A_512 = arith.constant 96 : i32
        %add3A_513 = arith.addi %mul3A_511, %add3A_512 : i32
        %get3A_514 = arith.index_cast %add3A_513 : i32 to index
        %get3A_515 = tpu.vector_load %arg9[%get3A_514] {strides = array<i32>} : memref<8192xi32, #tpu.memory_space<vmem>>, vector<16xi32>,
        %gt3A_516 = arith.cmpf ogt, %get3A_509, %get3A_504 : vector<16xf32>
        %select_n3A_517 = arith.select %gt3A_516, %broadcast_in_dim3A_5, %broadcast_in_dim3A_3 : vector<16xi1>, vector<16xi32>
        %add3A_518 = arith.addi %add3A_496, %select_n3A_517 : vector<16xi32>
        %add3A_519 = arith.addi %add3A_497, %get3A_515 : vector<16xi32>
        %select_n3A_520 = arith.select %gt3A_516, %get3A_515, %broadcast_in_dim3A_3 : vector<16xi1>, vector<16xi32>
        %add3A_521 = arith.addi %add3A_499, %select_n3A_520 : vector<16xi32>
        %get3A_522 = arith.constant 0 : i32
        %get3A_523 = arith.index_cast %scan3A_367 : i32 to index
        %get3A_524 = arith.index_cast %get3A_522 : i32 to index
        %get3A_525 = arith.constant 112 : index
        %get3A_526 = tpu.vector_load %arg5[%get3A_523, %get3A_524, %get3A_525] {strides = array<i32>} : memref<64x2x128xf32, #tpu.memory_space<vmem>>, vector<16xf32>,
        %get3A_527 = arith.constant 1 : i32
        %get3A_528 = arith.index_cast %scan3A_367 : i32 to index
        %get3A_529 = arith.index_cast %get3A_527 : i32 to index
        %get3A_530 = arith.constant 112 : index
        %get3A_531 = tpu.vector_load %arg5[%get3A_528, %get3A_529, %get3A_530] {strides = array<i32>} : memref<64x2x128xf32, #tpu.memory_space<vmem>>, vector<16xf32>,
        %mul3A_532 = arith.constant 128 : i32
        %mul3A_533 = arith.muli %scan3A_367, %mul3A_532 : i32
        %add3A_534 = arith.constant 112 : i32
        %add3A_535 = arith.addi %mul3A_533, %add3A_534 : i32
        %get3A_536 = arith.index_cast %add3A_535 : i32 to index
        %get3A_537 = tpu.vector_load %arg9[%get3A_536] {strides = array<i32>} : memref<8192xi32, #tpu.memory_space<vmem>>, vector<16xi32>,
        %gt3A_538 = arith.cmpf ogt, %get3A_531, %get3A_526 : vector<16xf32>
        %select_n3A_539 = arith.select %gt3A_538, %broadcast_in_dim3A_5, %broadcast_in_dim3A_3 : vector<16xi1>, vector<16xi32>
        %add3A_540 = arith.addi %add3A_518, %select_n3A_539 : vector<16xi32>
        %add3A_541 = arith.addi %add3A_519, %get3A_537 : vector<16xi32>
        %select_n3A_542 = arith.select %gt3A_538, %get3A_537, %broadcast_in_dim3A_3 : vector<16xi1>, vector<16xi32>
        %add3A_543 = arith.addi %add3A_521, %select_n3A_542 : vector<16xi32>
        scf.yield %add3A_540, %add3A_541, %add3A_543 : vector<16xi32>, vector<16xi32>, vector<16xi32>
      }
      %scan3A_94 = arith.constant 64 : i32
      %add3A_95 = arith.constant 4 : i32
      %add3A_96 = arith.addi %add3A_76, %add3A_95 : i32
      %lt3A = arith.constant 32 : i32
      %lt3A_97 = arith.cmpi slt, %add3A_96, %lt3A : i32
      %convert_element_type3A = arith.extui %lt3A_97 : i1 to i32
      %cond3A = arith.constant 0 : i32
      %cond3A_98 = arith.cmpi ne, %convert_element_type3A, %cond3A : i32
      scf.if %cond3A_98 {
        %add3A_189 = arith.constant 4 : i32
        %add3A_190 = arith.addi %add3A_76, %add3A_189 : i32
        %mul3A_191 = arith.constant 64 : i32
        %mul3A_192 = arith.muli %add3A_190, %mul3A_191 : i32
        %add3A_193 = arith.addi %mul3A_2, %mul3A_192 : i32
        %mul3A_194 = arith.constant 128 : i32
        %mul3A_195 = arith.muli %add3A_193, %mul3A_194 : i32
        %dma_start3A_196 = arith.constant 0 : i32
        %dma_start3A_197 = arith.constant 0 : i32
        %dma_start3A_198 = tpu.memref_slice %arg2[%add3A_193, %dma_start3A_196, %dma_start3A_197] : memref<65536x2x128xf32, #tpu.memory_space<hbm>> -> memref<64x2x128xf32, #tpu.memory_space<hbm>>
        %dma_start3A_199 = arith.constant 0 : i32
        %dma_start3A_200 = arith.constant 0 : i32
        %dma_start3A_201 = tpu.memref_slice %arg2[%add3A_193, %dma_start3A_199, %dma_start3A_200] : memref<65536x2x128xf32, #tpu.memory_space<hbm>> -> memref<64x2x128xf32, #tpu.memory_space<hbm>>
        tpu.enqueue_dma source(%dma_start3A_201 : memref<64x2x128xf32, #tpu.memory_space<hbm>>) target(%arg5 : memref<64x2x128xf32, #tpu.memory_space<vmem>>) target_semaphore(%arg14 : memref<!tpu.dma_semaphore, #tpu.memory_space<semaphore_mem>>)
        %dma_start3A_202 = tpu.memref_slice %arg3[%mul3A_195] : memref<8388608xi32, #tpu.memory_space<hbm>> -> memref<8192xi32, #tpu.memory_space<hbm>>
        %dma_start3A_203 = tpu.memref_slice %arg3[%mul3A_195] : memref<8388608xi32, #tpu.memory_space<hbm>> -> memref<8192xi32, #tpu.memory_space<hbm>>
        tpu.enqueue_dma source(%dma_start3A_203 : memref<8192xi32, #tpu.memory_space<hbm>>) target(%arg9 : memref<8192xi32, #tpu.memory_space<vmem>>) target_semaphore(%arg18 : memref<!tpu.dma_semaphore, #tpu.memory_space<semaphore_mem>>)
      } else {
      }
      %mul3A_99 = arith.constant 4 : i32
      %mul3A_100 = arith.muli %scan3A_69, %mul3A_99 : i32
      %add3A_101 = arith.constant 1 : i32
      %add3A_102 = arith.addi %mul3A_100, %add3A_101 : i32
      %mul3A_103 = arith.constant 64 : i32
      %mul3A_104 = arith.muli %add3A_102, %mul3A_103 : i32
      %add3A_105 = arith.addi %mul3A_2, %mul3A_104 : i32
      %mul3A_106 = arith.constant 128 : i32
      %mul3A_107 = arith.muli %add3A_105, %mul3A_106 : i32
      %dma_wait3A_108 = arith.constant 0 : i32
      %dma_wait3A_109 = arith.constant 0 : i32
      %dma_wait3A_110 = tpu.memref_slice %arg2[%add3A_105, %dma_wait3A_108, %dma_wait3A_109] : memref<65536x2x128xf32, #tpu.memory_space<hbm>> -> memref<64x2x128xf32, #tpu.memory_space<hbm>>
      %dma_wait3A_111 = arith.constant 0 : i32
      %dma_wait3A_112 = arith.constant 0 : i32
      %dma_wait3A_113 = tpu.memref_slice %arg2[%add3A_105, %dma_wait3A_111, %dma_wait3A_112] : memref<65536x2x128xf32, #tpu.memory_space<hbm>> -> memref<64x2x128xf32, #tpu.memory_space<hbm>>
      tpu.wait_dma2 semaphore(%arg15 : memref<!tpu.dma_semaphore, #tpu.memory_space<semaphore_mem>>) src(%dma_wait3A_113 : memref<64x2x128xf32, #tpu.memory_space<hbm>>) dst(%arg6 : memref<64x2x128xf32, #tpu.memory_space<vmem>>)
      %dma_wait3A_114 = tpu.memref_slice %arg3[%mul3A_107] : memref<8388608xi32, #tpu.memory_space<hbm>> -> memref<8192xi32, #tpu.memory_space<hbm>>
      %dma_wait3A_115 = tpu.memref_slice %arg3[%mul3A_107] : memref<8388608xi32, #tpu.memory_space<hbm>> -> memref<8192xi32, #tpu.memory_space<hbm>>
      tpu.wait_dma2 semaphore(%arg19 : memref<!tpu.dma_semaphore, #tpu.memory_space<semaphore_mem>>) src(%dma_wait3A_115 : memref<8192xi32, #tpu.memory_space<hbm>>) dst(%arg10 : memref<8192xi32, #tpu.memory_space<vmem>>)
      %scan3A_116 = arith.constant 0 : i32
      %scan3A_117 = arith.constant 64 : i32
      %scan3A_118 = arith.addi %scan3A_116, %scan3A_117 : i32
      %scan3A_119 = arith.constant 2 : i32
      %scan3A_120:3 = scf.for %scan3A_189 = %scan3A_116 to %scan3A_118 step %scan3A_119 iter_args(%scan3A_190 = %scan3A_93#0, %scan3A_191 = %scan3A_93#1, %scan3A_192 = %scan3A_93#2) -> (vector<16xi32>, vector<16xi32>, vector<16xi32>)  : i32 {
        %get3A = arith.constant 0 : i32
        %get3A_193 = arith.index_cast %scan3A_189 : i32 to index
        %get3A_194 = arith.index_cast %get3A : i32 to index
        %get3A_195 = arith.constant 0 : index
        %get3A_196 = tpu.vector_load %arg6[%get3A_193, %get3A_194, %get3A_195] {strides = array<i32>} : memref<64x2x128xf32, #tpu.memory_space<vmem>>, vector<16xf32>,
        %get3A_197 = arith.constant 1 : i32
        %get3A_198 = arith.index_cast %scan3A_189 : i32 to index
        %get3A_199 = arith.index_cast %get3A_197 : i32 to index
        %get3A_200 = arith.constant 0 : index
        %get3A_201 = tpu.vector_load %arg6[%get3A_198, %get3A_199, %get3A_200] {strides = array<i32>} : memref<64x2x128xf32, #tpu.memory_space<vmem>>, vector<16xf32>,
        %mul3A_202 = arith.constant 128 : i32
        %mul3A_203 = arith.muli %scan3A_189, %mul3A_202 : i32
        %add3A_204 = arith.constant 0 : i32
        %add3A_205 = arith.addi %mul3A_203, %add3A_204 : i32
        %get3A_206 = arith.index_cast %add3A_205 : i32 to index
        %get3A_207 = tpu.vector_load %arg10[%get3A_206] {strides = array<i32>} : memref<8192xi32, #tpu.memory_space<vmem>>, vector<16xi32>,
        %gt3A = arith.cmpf ogt, %get3A_201, %get3A_196 : vector<16xf32>
        %select_n3A = arith.select %gt3A, %broadcast_in_dim3A_5, %broadcast_in_dim3A_3 : vector<16xi1>, vector<16xi32>
        %add3A_208 = arith.addi %scan3A_190, %select_n3A : vector<16xi32>
        %add3A_209 = arith.addi %scan3A_191, %get3A_207 : vector<16xi32>
        %select_n3A_210 = arith.select %gt3A, %get3A_207, %broadcast_in_dim3A_3 : vector<16xi1>, vector<16xi32>
        %add3A_211 = arith.addi %scan3A_192, %select_n3A_210 : vector<16xi32>
        %get3A_212 = arith.constant 0 : i32
        %get3A_213 = arith.index_cast %scan3A_189 : i32 to index
        %get3A_214 = arith.index_cast %get3A_212 : i32 to index
        %get3A_215 = arith.constant 16 : index
        %get3A_216 = tpu.vector_load %arg6[%get3A_213, %get3A_214, %get3A_215] {strides = array<i32>} : memref<64x2x128xf32, #tpu.memory_space<vmem>>, vector<16xf32>,
        %get3A_217 = arith.constant 1 : i32
        %get3A_218 = arith.index_cast %scan3A_189 : i32 to index
        %get3A_219 = arith.index_cast %get3A_217 : i32 to index
        %get3A_220 = arith.constant 16 : index
        %get3A_221 = tpu.vector_load %arg6[%get3A_218, %get3A_219, %get3A_220] {strides = array<i32>} : memref<64x2x128xf32, #tpu.memory_space<vmem>>, vector<16xf32>,
        %mul3A_222 = arith.constant 128 : i32
        %mul3A_223 = arith.muli %scan3A_189, %mul3A_222 : i32
        %add3A_224 = arith.constant 16 : i32
        %add3A_225 = arith.addi %mul3A_223, %add3A_224 : i32
        %get3A_226 = arith.index_cast %add3A_225 : i32 to index
        %get3A_227 = tpu.vector_load %arg10[%get3A_226] {strides = array<i32>} : memref<8192xi32, #tpu.memory_space<vmem>>, vector<16xi32>,
        %gt3A_228 = arith.cmpf ogt, %get3A_221, %get3A_216 : vector<16xf32>
        %select_n3A_229 = arith.select %gt3A_228, %broadcast_in_dim3A_5, %broadcast_in_dim3A_3 : vector<16xi1>, vector<16xi32>
        %add3A_230 = arith.addi %add3A_208, %select_n3A_229 : vector<16xi32>
        %add3A_231 = arith.addi %add3A_209, %get3A_227 : vector<16xi32>
        %select_n3A_232 = arith.select %gt3A_228, %get3A_227, %broadcast_in_dim3A_3 : vector<16xi1>, vector<16xi32>
        %add3A_233 = arith.addi %add3A_211, %select_n3A_232 : vector<16xi32>
        %get3A_234 = arith.constant 0 : i32
        %get3A_235 = arith.index_cast %scan3A_189 : i32 to index
        %get3A_236 = arith.index_cast %get3A_234 : i32 to index
        %get3A_237 = arith.constant 32 : index
        %get3A_238 = tpu.vector_load %arg6[%get3A_235, %get3A_236, %get3A_237] {strides = array<i32>} : memref<64x2x128xf32, #tpu.memory_space<vmem>>, vector<16xf32>,
        %get3A_239 = arith.constant 1 : i32
        %get3A_240 = arith.index_cast %scan3A_189 : i32 to index
        %get3A_241 = arith.index_cast %get3A_239 : i32 to index
        %get3A_242 = arith.constant 32 : index
        %get3A_243 = tpu.vector_load %arg6[%get3A_240, %get3A_241, %get3A_242] {strides = array<i32>} : memref<64x2x128xf32, #tpu.memory_space<vmem>>, vector<16xf32>,
        %mul3A_244 = arith.constant 128 : i32
        %mul3A_245 = arith.muli %scan3A_189, %mul3A_244 : i32
        %add3A_246 = arith.constant 32 : i32
        %add3A_247 = arith.addi %mul3A_245, %add3A_246 : i32
        %get3A_248 = arith.index_cast %add3A_247 : i32 to index
        %get3A_249 = tpu.vector_load %arg10[%get3A_248] {strides = array<i32>} : memref<8192xi32, #tpu.memory_space<vmem>>, vector<16xi32>,
        %gt3A_250 = arith.cmpf ogt, %get3A_243, %get3A_238 : vector<16xf32>
        %select_n3A_251 = arith.select %gt3A_250, %broadcast_in_dim3A_5, %broadcast_in_dim3A_3 : vector<16xi1>, vector<16xi32>
        %add3A_252 = arith.addi %add3A_230, %select_n3A_251 : vector<16xi32>
        %add3A_253 = arith.addi %add3A_231, %get3A_249 : vector<16xi32>
        %select_n3A_254 = arith.select %gt3A_250, %get3A_249, %broadcast_in_dim3A_3 : vector<16xi1>, vector<16xi32>
        %add3A_255 = arith.addi %add3A_233, %select_n3A_254 : vector<16xi32>
        %get3A_256 = arith.constant 0 : i32
        %get3A_257 = arith.index_cast %scan3A_189 : i32 to index
        %get3A_258 = arith.index_cast %get3A_256 : i32 to index
        %get3A_259 = arith.constant 48 : index
        %get3A_260 = tpu.vector_load %arg6[%get3A_257, %get3A_258, %get3A_259] {strides = array<i32>} : memref<64x2x128xf32, #tpu.memory_space<vmem>>, vector<16xf32>,
        %get3A_261 = arith.constant 1 : i32
        %get3A_262 = arith.index_cast %scan3A_189 : i32 to index
        %get3A_263 = arith.index_cast %get3A_261 : i32 to index
        %get3A_264 = arith.constant 48 : index
        %get3A_265 = tpu.vector_load %arg6[%get3A_262, %get3A_263, %get3A_264] {strides = array<i32>} : memref<64x2x128xf32, #tpu.memory_space<vmem>>, vector<16xf32>,
        %mul3A_266 = arith.constant 128 : i32
        %mul3A_267 = arith.muli %scan3A_189, %mul3A_266 : i32
        %add3A_268 = arith.constant 48 : i32
        %add3A_269 = arith.addi %mul3A_267, %add3A_268 : i32
        %get3A_270 = arith.index_cast %add3A_269 : i32 to index
        %get3A_271 = tpu.vector_load %arg10[%get3A_270] {strides = array<i32>} : memref<8192xi32, #tpu.memory_space<vmem>>, vector<16xi32>,
        %gt3A_272 = arith.cmpf ogt, %get3A_265, %get3A_260 : vector<16xf32>
        %select_n3A_273 = arith.select %gt3A_272, %broadcast_in_dim3A_5, %broadcast_in_dim3A_3 : vector<16xi1>, vector<16xi32>
        %add3A_274 = arith.addi %add3A_252, %select_n3A_273 : vector<16xi32>
        %add3A_275 = arith.addi %add3A_253, %get3A_271 : vector<16xi32>
        %select_n3A_276 = arith.select %gt3A_272, %get3A_271, %broadcast_in_dim3A_3 : vector<16xi1>, vector<16xi32>
        %add3A_277 = arith.addi %add3A_255, %select_n3A_276 : vector<16xi32>
        %get3A_278 = arith.constant 0 : i32
        %get3A_279 = arith.index_cast %scan3A_189 : i32 to index
        %get3A_280 = arith.index_cast %get3A_278 : i32 to index
        %get3A_281 = arith.constant 64 : index
        %get3A_282 = tpu.vector_load %arg6[%get3A_279, %get3A_280, %get3A_281] {strides = array<i32>} : memref<64x2x128xf32, #tpu.memory_space<vmem>>, vector<16xf32>,
        %get3A_283 = arith.constant 1 : i32
        %get3A_284 = arith.index_cast %scan3A_189 : i32 to index
        %get3A_285 = arith.index_cast %get3A_283 : i32 to index
        %get3A_286 = arith.constant 64 : index
        %get3A_287 = tpu.vector_load %arg6[%get3A_284, %get3A_285, %get3A_286] {strides = array<i32>} : memref<64x2x128xf32, #tpu.memory_space<vmem>>, vector<16xf32>,
        %mul3A_288 = arith.constant 128 : i32
        %mul3A_289 = arith.muli %scan3A_189, %mul3A_288 : i32
        %add3A_290 = arith.constant 64 : i32
        %add3A_291 = arith.addi %mul3A_289, %add3A_290 : i32
        %get3A_292 = arith.index_cast %add3A_291 : i32 to index
        %get3A_293 = tpu.vector_load %arg10[%get3A_292] {strides = array<i32>} : memref<8192xi32, #tpu.memory_space<vmem>>, vector<16xi32>,
        %gt3A_294 = arith.cmpf ogt, %get3A_287, %get3A_282 : vector<16xf32>
        %select_n3A_295 = arith.select %gt3A_294, %broadcast_in_dim3A_5, %broadcast_in_dim3A_3 : vector<16xi1>, vector<16xi32>
        %add3A_296 = arith.addi %add3A_274, %select_n3A_295 : vector<16xi32>
        %add3A_297 = arith.addi %add3A_275, %get3A_293 : vector<16xi32>
        %select_n3A_298 = arith.select %gt3A_294, %get3A_293, %broadcast_in_dim3A_3 : vector<16xi1>, vector<16xi32>
        %add3A_299 = arith.addi %add3A_277, %select_n3A_298 : vector<16xi32>
        %get3A_300 = arith.constant 0 : i32
        %get3A_301 = arith.index_cast %scan3A_189 : i32 to index
        %get3A_302 = arith.index_cast %get3A_300 : i32 to index
        %get3A_303 = arith.constant 80 : index
        %get3A_304 = tpu.vector_load %arg6[%get3A_301, %get3A_302, %get3A_303] {strides = array<i32>} : memref<64x2x128xf32, #tpu.memory_space<vmem>>, vector<16xf32>,
        %get3A_305 = arith.constant 1 : i32
        %get3A_306 = arith.index_cast %scan3A_189 : i32 to index
        %get3A_307 = arith.index_cast %get3A_305 : i32 to index
        %get3A_308 = arith.constant 80 : index
        %get3A_309 = tpu.vector_load %arg6[%get3A_306, %get3A_307, %get3A_308] {strides = array<i32>} : memref<64x2x128xf32, #tpu.memory_space<vmem>>, vector<16xf32>,
        %mul3A_310 = arith.constant 128 : i32
        %mul3A_311 = arith.muli %scan3A_189, %mul3A_310 : i32
        %add3A_312 = arith.constant 80 : i32
        %add3A_313 = arith.addi %mul3A_311, %add3A_312 : i32
        %get3A_314 = arith.index_cast %add3A_313 : i32 to index
        %get3A_315 = tpu.vector_load %arg10[%get3A_314] {strides = array<i32>} : memref<8192xi32, #tpu.memory_space<vmem>>, vector<16xi32>,
        %gt3A_316 = arith.cmpf ogt, %get3A_309, %get3A_304 : vector<16xf32>
        %select_n3A_317 = arith.select %gt3A_316, %broadcast_in_dim3A_5, %broadcast_in_dim3A_3 : vector<16xi1>, vector<16xi32>
        %add3A_318 = arith.addi %add3A_296, %select_n3A_317 : vector<16xi32>
        %add3A_319 = arith.addi %add3A_297, %get3A_315 : vector<16xi32>
        %select_n3A_320 = arith.select %gt3A_316, %get3A_315, %broadcast_in_dim3A_3 : vector<16xi1>, vector<16xi32>
        %add3A_321 = arith.addi %add3A_299, %select_n3A_320 : vector<16xi32>
        %get3A_322 = arith.constant 0 : i32
        %get3A_323 = arith.index_cast %scan3A_189 : i32 to index
        %get3A_324 = arith.index_cast %get3A_322 : i32 to index
        %get3A_325 = arith.constant 96 : index
        %get3A_326 = tpu.vector_load %arg6[%get3A_323, %get3A_324, %get3A_325] {strides = array<i32>} : memref<64x2x128xf32, #tpu.memory_space<vmem>>, vector<16xf32>,
        %get3A_327 = arith.constant 1 : i32
        %get3A_328 = arith.index_cast %scan3A_189 : i32 to index
        %get3A_329 = arith.index_cast %get3A_327 : i32 to index
        %get3A_330 = arith.constant 96 : index
        %get3A_331 = tpu.vector_load %arg6[%get3A_328, %get3A_329, %get3A_330] {strides = array<i32>} : memref<64x2x128xf32, #tpu.memory_space<vmem>>, vector<16xf32>,
        %mul3A_332 = arith.constant 128 : i32
        %mul3A_333 = arith.muli %scan3A_189, %mul3A_332 : i32
        %add3A_334 = arith.constant 96 : i32
        %add3A_335 = arith.addi %mul3A_333, %add3A_334 : i32
        %get3A_336 = arith.index_cast %add3A_335 : i32 to index
        %get3A_337 = tpu.vector_load %arg10[%get3A_336] {strides = array<i32>} : memref<8192xi32, #tpu.memory_space<vmem>>, vector<16xi32>,
        %gt3A_338 = arith.cmpf ogt, %get3A_331, %get3A_326 : vector<16xf32>
        %select_n3A_339 = arith.select %gt3A_338, %broadcast_in_dim3A_5, %broadcast_in_dim3A_3 : vector<16xi1>, vector<16xi32>
        %add3A_340 = arith.addi %add3A_318, %select_n3A_339 : vector<16xi32>
        %add3A_341 = arith.addi %add3A_319, %get3A_337 : vector<16xi32>
        %select_n3A_342 = arith.select %gt3A_338, %get3A_337, %broadcast_in_dim3A_3 : vector<16xi1>, vector<16xi32>
        %add3A_343 = arith.addi %add3A_321, %select_n3A_342 : vector<16xi32>
        %get3A_344 = arith.constant 0 : i32
        %get3A_345 = arith.index_cast %scan3A_189 : i32 to index
        %get3A_346 = arith.index_cast %get3A_344 : i32 to index
        %get3A_347 = arith.constant 112 : index
        %get3A_348 = tpu.vector_load %arg6[%get3A_345, %get3A_346, %get3A_347] {strides = array<i32>} : memref<64x2x128xf32, #tpu.memory_space<vmem>>, vector<16xf32>,
        %get3A_349 = arith.constant 1 : i32
        %get3A_350 = arith.index_cast %scan3A_189 : i32 to index
        %get3A_351 = arith.index_cast %get3A_349 : i32 to index
        %get3A_352 = arith.constant 112 : index
        %get3A_353 = tpu.vector_load %arg6[%get3A_350, %get3A_351, %get3A_352] {strides = array<i32>} : memref<64x2x128xf32, #tpu.memory_space<vmem>>, vector<16xf32>,
        %mul3A_354 = arith.constant 128 : i32
        %mul3A_355 = arith.muli %scan3A_189, %mul3A_354 : i32
        %add3A_356 = arith.constant 112 : i32
        %add3A_357 = arith.addi %mul3A_355, %add3A_356 : i32
        %get3A_358 = arith.index_cast %add3A_357 : i32 to index
        %get3A_359 = tpu.vector_load %arg10[%get3A_358] {strides = array<i32>} : memref<8192xi32, #tpu.memory_space<vmem>>, vector<16xi32>,
        %gt3A_360 = arith.cmpf ogt, %get3A_353, %get3A_348 : vector<16xf32>
        %select_n3A_361 = arith.select %gt3A_360, %broadcast_in_dim3A_5, %broadcast_in_dim3A_3 : vector<16xi1>, vector<16xi32>
        %add3A_362 = arith.addi %add3A_340, %select_n3A_361 : vector<16xi32>
        %add3A_363 = arith.addi %add3A_341, %get3A_359 : vector<16xi32>
        %select_n3A_364 = arith.select %gt3A_360, %get3A_359, %broadcast_in_dim3A_3 : vector<16xi1>, vector<16xi32>
        %add3A_365 = arith.addi %add3A_343, %select_n3A_364 : vector<16xi32>
        %scan3A_366 = arith.constant 1 : i32
        %scan3A_367 = arith.addi %scan3A_189, %scan3A_366 : i32
        %get3A_368 = arith.constant 0 : i32
        %get3A_369 = arith.index_cast %scan3A_367 : i32 to index
        %get3A_370 = arith.index_cast %get3A_368 : i32 to index
        %get3A_371 = arith.constant 0 : index
        %get3A_372 = tpu.vector_load %arg6[%get3A_369, %get3A_370, %get3A_371] {strides = array<i32>} : memref<64x2x128xf32, #tpu.memory_space<vmem>>, vector<16xf32>,
        %get3A_373 = arith.constant 1 : i32
        %get3A_374 = arith.index_cast %scan3A_367 : i32 to index
        %get3A_375 = arith.index_cast %get3A_373 : i32 to index
        %get3A_376 = arith.constant 0 : index
        %get3A_377 = tpu.vector_load %arg6[%get3A_374, %get3A_375, %get3A_376] {strides = array<i32>} : memref<64x2x128xf32, #tpu.memory_space<vmem>>, vector<16xf32>,
        %mul3A_378 = arith.constant 128 : i32
        %mul3A_379 = arith.muli %scan3A_367, %mul3A_378 : i32
        %add3A_380 = arith.constant 0 : i32
        %add3A_381 = arith.addi %mul3A_379, %add3A_380 : i32
        %get3A_382 = arith.index_cast %add3A_381 : i32 to index
        %get3A_383 = tpu.vector_load %arg10[%get3A_382] {strides = array<i32>} : memref<8192xi32, #tpu.memory_space<vmem>>, vector<16xi32>,
        %gt3A_384 = arith.cmpf ogt, %get3A_377, %get3A_372 : vector<16xf32>
        %select_n3A_385 = arith.select %gt3A_384, %broadcast_in_dim3A_5, %broadcast_in_dim3A_3 : vector<16xi1>, vector<16xi32>
        %add3A_386 = arith.addi %add3A_362, %select_n3A_385 : vector<16xi32>
        %add3A_387 = arith.addi %add3A_363, %get3A_383 : vector<16xi32>
        %select_n3A_388 = arith.select %gt3A_384, %get3A_383, %broadcast_in_dim3A_3 : vector<16xi1>, vector<16xi32>
        %add3A_389 = arith.addi %add3A_365, %select_n3A_388 : vector<16xi32>
        %get3A_390 = arith.constant 0 : i32
        %get3A_391 = arith.index_cast %scan3A_367 : i32 to index
        %get3A_392 = arith.index_cast %get3A_390 : i32 to index
        %get3A_393 = arith.constant 16 : index
        %get3A_394 = tpu.vector_load %arg6[%get3A_391, %get3A_392, %get3A_393] {strides = array<i32>} : memref<64x2x128xf32, #tpu.memory_space<vmem>>, vector<16xf32>,
        %get3A_395 = arith.constant 1 : i32
        %get3A_396 = arith.index_cast %scan3A_367 : i32 to index
        %get3A_397 = arith.index_cast %get3A_395 : i32 to index
        %get3A_398 = arith.constant 16 : index
        %get3A_399 = tpu.vector_load %arg6[%get3A_396, %get3A_397, %get3A_398] {strides = array<i32>} : memref<64x2x128xf32, #tpu.memory_space<vmem>>, vector<16xf32>,
        %mul3A_400 = arith.constant 128 : i32
        %mul3A_401 = arith.muli %scan3A_367, %mul3A_400 : i32
        %add3A_402 = arith.constant 16 : i32
        %add3A_403 = arith.addi %mul3A_401, %add3A_402 : i32
        %get3A_404 = arith.index_cast %add3A_403 : i32 to index
        %get3A_405 = tpu.vector_load %arg10[%get3A_404] {strides = array<i32>} : memref<8192xi32, #tpu.memory_space<vmem>>, vector<16xi32>,
        %gt3A_406 = arith.cmpf ogt, %get3A_399, %get3A_394 : vector<16xf32>
        %select_n3A_407 = arith.select %gt3A_406, %broadcast_in_dim3A_5, %broadcast_in_dim3A_3 : vector<16xi1>, vector<16xi32>
        %add3A_408 = arith.addi %add3A_386, %select_n3A_407 : vector<16xi32>
        %add3A_409 = arith.addi %add3A_387, %get3A_405 : vector<16xi32>
        %select_n3A_410 = arith.select %gt3A_406, %get3A_405, %broadcast_in_dim3A_3 : vector<16xi1>, vector<16xi32>
        %add3A_411 = arith.addi %add3A_389, %select_n3A_410 : vector<16xi32>
        %get3A_412 = arith.constant 0 : i32
        %get3A_413 = arith.index_cast %scan3A_367 : i32 to index
        %get3A_414 = arith.index_cast %get3A_412 : i32 to index
        %get3A_415 = arith.constant 32 : index
        %get3A_416 = tpu.vector_load %arg6[%get3A_413, %get3A_414, %get3A_415] {strides = array<i32>} : memref<64x2x128xf32, #tpu.memory_space<vmem>>, vector<16xf32>,
        %get3A_417 = arith.constant 1 : i32
        %get3A_418 = arith.index_cast %scan3A_367 : i32 to index
        %get3A_419 = arith.index_cast %get3A_417 : i32 to index
        %get3A_420 = arith.constant 32 : index
        %get3A_421 = tpu.vector_load %arg6[%get3A_418, %get3A_419, %get3A_420] {strides = array<i32>} : memref<64x2x128xf32, #tpu.memory_space<vmem>>, vector<16xf32>,
        %mul3A_422 = arith.constant 128 : i32
        %mul3A_423 = arith.muli %scan3A_367, %mul3A_422 : i32
        %add3A_424 = arith.constant 32 : i32
        %add3A_425 = arith.addi %mul3A_423, %add3A_424 : i32
        %get3A_426 = arith.index_cast %add3A_425 : i32 to index
        %get3A_427 = tpu.vector_load %arg10[%get3A_426] {strides = array<i32>} : memref<8192xi32, #tpu.memory_space<vmem>>, vector<16xi32>,
        %gt3A_428 = arith.cmpf ogt, %get3A_421, %get3A_416 : vector<16xf32>
        %select_n3A_429 = arith.select %gt3A_428, %broadcast_in_dim3A_5, %broadcast_in_dim3A_3 : vector<16xi1>, vector<16xi32>
        %add3A_430 = arith.addi %add3A_408, %select_n3A_429 : vector<16xi32>
        %add3A_431 = arith.addi %add3A_409, %get3A_427 : vector<16xi32>
        %select_n3A_432 = arith.select %gt3A_428, %get3A_427, %broadcast_in_dim3A_3 : vector<16xi1>, vector<16xi32>
        %add3A_433 = arith.addi %add3A_411, %select_n3A_432 : vector<16xi32>
        %get3A_434 = arith.constant 0 : i32
        %get3A_435 = arith.index_cast %scan3A_367 : i32 to index
        %get3A_436 = arith.index_cast %get3A_434 : i32 to index
        %get3A_437 = arith.constant 48 : index
        %get3A_438 = tpu.vector_load %arg6[%get3A_435, %get3A_436, %get3A_437] {strides = array<i32>} : memref<64x2x128xf32, #tpu.memory_space<vmem>>, vector<16xf32>,
        %get3A_439 = arith.constant 1 : i32
        %get3A_440 = arith.index_cast %scan3A_367 : i32 to index
        %get3A_441 = arith.index_cast %get3A_439 : i32 to index
        %get3A_442 = arith.constant 48 : index
        %get3A_443 = tpu.vector_load %arg6[%get3A_440, %get3A_441, %get3A_442] {strides = array<i32>} : memref<64x2x128xf32, #tpu.memory_space<vmem>>, vector<16xf32>,
        %mul3A_444 = arith.constant 128 : i32
        %mul3A_445 = arith.muli %scan3A_367, %mul3A_444 : i32
        %add3A_446 = arith.constant 48 : i32
        %add3A_447 = arith.addi %mul3A_445, %add3A_446 : i32
        %get3A_448 = arith.index_cast %add3A_447 : i32 to index
        %get3A_449 = tpu.vector_load %arg10[%get3A_448] {strides = array<i32>} : memref<8192xi32, #tpu.memory_space<vmem>>, vector<16xi32>,
        %gt3A_450 = arith.cmpf ogt, %get3A_443, %get3A_438 : vector<16xf32>
        %select_n3A_451 = arith.select %gt3A_450, %broadcast_in_dim3A_5, %broadcast_in_dim3A_3 : vector<16xi1>, vector<16xi32>
        %add3A_452 = arith.addi %add3A_430, %select_n3A_451 : vector<16xi32>
        %add3A_453 = arith.addi %add3A_431, %get3A_449 : vector<16xi32>
        %select_n3A_454 = arith.select %gt3A_450, %get3A_449, %broadcast_in_dim3A_3 : vector<16xi1>, vector<16xi32>
        %add3A_455 = arith.addi %add3A_433, %select_n3A_454 : vector<16xi32>
        %get3A_456 = arith.constant 0 : i32
        %get3A_457 = arith.index_cast %scan3A_367 : i32 to index
        %get3A_458 = arith.index_cast %get3A_456 : i32 to index
        %get3A_459 = arith.constant 64 : index
        %get3A_460 = tpu.vector_load %arg6[%get3A_457, %get3A_458, %get3A_459] {strides = array<i32>} : memref<64x2x128xf32, #tpu.memory_space<vmem>>, vector<16xf32>,
        %get3A_461 = arith.constant 1 : i32
        %get3A_462 = arith.index_cast %scan3A_367 : i32 to index
        %get3A_463 = arith.index_cast %get3A_461 : i32 to index
        %get3A_464 = arith.constant 64 : index
        %get3A_465 = tpu.vector_load %arg6[%get3A_462, %get3A_463, %get3A_464] {strides = array<i32>} : memref<64x2x128xf32, #tpu.memory_space<vmem>>, vector<16xf32>,
        %mul3A_466 = arith.constant 128 : i32
        %mul3A_467 = arith.muli %scan3A_367, %mul3A_466 : i32
        %add3A_468 = arith.constant 64 : i32
        %add3A_469 = arith.addi %mul3A_467, %add3A_468 : i32
        %get3A_470 = arith.index_cast %add3A_469 : i32 to index
        %get3A_471 = tpu.vector_load %arg10[%get3A_470] {strides = array<i32>} : memref<8192xi32, #tpu.memory_space<vmem>>, vector<16xi32>,
        %gt3A_472 = arith.cmpf ogt, %get3A_465, %get3A_460 : vector<16xf32>
        %select_n3A_473 = arith.select %gt3A_472, %broadcast_in_dim3A_5, %broadcast_in_dim3A_3 : vector<16xi1>, vector<16xi32>
        %add3A_474 = arith.addi %add3A_452, %select_n3A_473 : vector<16xi32>
        %add3A_475 = arith.addi %add3A_453, %get3A_471 : vector<16xi32>
        %select_n3A_476 = arith.select %gt3A_472, %get3A_471, %broadcast_in_dim3A_3 : vector<16xi1>, vector<16xi32>
        %add3A_477 = arith.addi %add3A_455, %select_n3A_476 : vector<16xi32>
        %get3A_478 = arith.constant 0 : i32
        %get3A_479 = arith.index_cast %scan3A_367 : i32 to index
        %get3A_480 = arith.index_cast %get3A_478 : i32 to index
        %get3A_481 = arith.constant 80 : index
        %get3A_482 = tpu.vector_load %arg6[%get3A_479, %get3A_480, %get3A_481] {strides = array<i32>} : memref<64x2x128xf32, #tpu.memory_space<vmem>>, vector<16xf32>,
        %get3A_483 = arith.constant 1 : i32
        %get3A_484 = arith.index_cast %scan3A_367 : i32 to index
        %get3A_485 = arith.index_cast %get3A_483 : i32 to index
        %get3A_486 = arith.constant 80 : index
        %get3A_487 = tpu.vector_load %arg6[%get3A_484, %get3A_485, %get3A_486] {strides = array<i32>} : memref<64x2x128xf32, #tpu.memory_space<vmem>>, vector<16xf32>,
        %mul3A_488 = arith.constant 128 : i32
        %mul3A_489 = arith.muli %scan3A_367, %mul3A_488 : i32
        %add3A_490 = arith.constant 80 : i32
        %add3A_491 = arith.addi %mul3A_489, %add3A_490 : i32
        %get3A_492 = arith.index_cast %add3A_491 : i32 to index
        %get3A_493 = tpu.vector_load %arg10[%get3A_492] {strides = array<i32>} : memref<8192xi32, #tpu.memory_space<vmem>>, vector<16xi32>,
        %gt3A_494 = arith.cmpf ogt, %get3A_487, %get3A_482 : vector<16xf32>
        %select_n3A_495 = arith.select %gt3A_494, %broadcast_in_dim3A_5, %broadcast_in_dim3A_3 : vector<16xi1>, vector<16xi32>
        %add3A_496 = arith.addi %add3A_474, %select_n3A_495 : vector<16xi32>
        %add3A_497 = arith.addi %add3A_475, %get3A_493 : vector<16xi32>
        %select_n3A_498 = arith.select %gt3A_494, %get3A_493, %broadcast_in_dim3A_3 : vector<16xi1>, vector<16xi32>
        %add3A_499 = arith.addi %add3A_477, %select_n3A_498 : vector<16xi32>
        %get3A_500 = arith.constant 0 : i32
        %get3A_501 = arith.index_cast %scan3A_367 : i32 to index
        %get3A_502 = arith.index_cast %get3A_500 : i32 to index
        %get3A_503 = arith.constant 96 : index
        %get3A_504 = tpu.vector_load %arg6[%get3A_501, %get3A_502, %get3A_503] {strides = array<i32>} : memref<64x2x128xf32, #tpu.memory_space<vmem>>, vector<16xf32>,
        %get3A_505 = arith.constant 1 : i32
        %get3A_506 = arith.index_cast %scan3A_367 : i32 to index
        %get3A_507 = arith.index_cast %get3A_505 : i32 to index
        %get3A_508 = arith.constant 96 : index
        %get3A_509 = tpu.vector_load %arg6[%get3A_506, %get3A_507, %get3A_508] {strides = array<i32>} : memref<64x2x128xf32, #tpu.memory_space<vmem>>, vector<16xf32>,
        %mul3A_510 = arith.constant 128 : i32
        %mul3A_511 = arith.muli %scan3A_367, %mul3A_510 : i32
        %add3A_512 = arith.constant 96 : i32
        %add3A_513 = arith.addi %mul3A_511, %add3A_512 : i32
        %get3A_514 = arith.index_cast %add3A_513 : i32 to index
        %get3A_515 = tpu.vector_load %arg10[%get3A_514] {strides = array<i32>} : memref<8192xi32, #tpu.memory_space<vmem>>, vector<16xi32>,
        %gt3A_516 = arith.cmpf ogt, %get3A_509, %get3A_504 : vector<16xf32>
        %select_n3A_517 = arith.select %gt3A_516, %broadcast_in_dim3A_5, %broadcast_in_dim3A_3 : vector<16xi1>, vector<16xi32>
        %add3A_518 = arith.addi %add3A_496, %select_n3A_517 : vector<16xi32>
        %add3A_519 = arith.addi %add3A_497, %get3A_515 : vector<16xi32>
        %select_n3A_520 = arith.select %gt3A_516, %get3A_515, %broadcast_in_dim3A_3 : vector<16xi1>, vector<16xi32>
        %add3A_521 = arith.addi %add3A_499, %select_n3A_520 : vector<16xi32>
        %get3A_522 = arith.constant 0 : i32
        %get3A_523 = arith.index_cast %scan3A_367 : i32 to index
        %get3A_524 = arith.index_cast %get3A_522 : i32 to index
        %get3A_525 = arith.constant 112 : index
        %get3A_526 = tpu.vector_load %arg6[%get3A_523, %get3A_524, %get3A_525] {strides = array<i32>} : memref<64x2x128xf32, #tpu.memory_space<vmem>>, vector<16xf32>,
        %get3A_527 = arith.constant 1 : i32
        %get3A_528 = arith.index_cast %scan3A_367 : i32 to index
        %get3A_529 = arith.index_cast %get3A_527 : i32 to index
        %get3A_530 = arith.constant 112 : index
        %get3A_531 = tpu.vector_load %arg6[%get3A_528, %get3A_529, %get3A_530] {strides = array<i32>} : memref<64x2x128xf32, #tpu.memory_space<vmem>>, vector<16xf32>,
        %mul3A_532 = arith.constant 128 : i32
        %mul3A_533 = arith.muli %scan3A_367, %mul3A_532 : i32
        %add3A_534 = arith.constant 112 : i32
        %add3A_535 = arith.addi %mul3A_533, %add3A_534 : i32
        %get3A_536 = arith.index_cast %add3A_535 : i32 to index
        %get3A_537 = tpu.vector_load %arg10[%get3A_536] {strides = array<i32>} : memref<8192xi32, #tpu.memory_space<vmem>>, vector<16xi32>,
        %gt3A_538 = arith.cmpf ogt, %get3A_531, %get3A_526 : vector<16xf32>
        %select_n3A_539 = arith.select %gt3A_538, %broadcast_in_dim3A_5, %broadcast_in_dim3A_3 : vector<16xi1>, vector<16xi32>
        %add3A_540 = arith.addi %add3A_518, %select_n3A_539 : vector<16xi32>
        %add3A_541 = arith.addi %add3A_519, %get3A_537 : vector<16xi32>
        %select_n3A_542 = arith.select %gt3A_538, %get3A_537, %broadcast_in_dim3A_3 : vector<16xi1>, vector<16xi32>
        %add3A_543 = arith.addi %add3A_521, %select_n3A_542 : vector<16xi32>
        scf.yield %add3A_540, %add3A_541, %add3A_543 : vector<16xi32>, vector<16xi32>, vector<16xi32>
      }
      %scan3A_121 = arith.constant 64 : i32
      %add3A_122 = arith.constant 4 : i32
      %add3A_123 = arith.addi %add3A_102, %add3A_122 : i32
      %lt3A_124 = arith.constant 32 : i32
      %lt3A_125 = arith.cmpi slt, %add3A_123, %lt3A_124 : i32
      %convert_element_type3A_126 = arith.extui %lt3A_125 : i1 to i32
      %cond3A_127 = arith.constant 0 : i32
      %cond3A_128 = arith.cmpi ne, %convert_element_type3A_126, %cond3A_127 : i32
      scf.if %cond3A_128 {
        %add3A_189 = arith.constant 4 : i32
        %add3A_190 = arith.addi %add3A_102, %add3A_189 : i32
        %mul3A_191 = arith.constant 64 : i32
        %mul3A_192 = arith.muli %add3A_190, %mul3A_191 : i32
        %add3A_193 = arith.addi %mul3A_2, %mul3A_192 : i32
        %mul3A_194 = arith.constant 128 : i32
        %mul3A_195 = arith.muli %add3A_193, %mul3A_194 : i32
        %dma_start3A_196 = arith.constant 0 : i32
        %dma_start3A_197 = arith.constant 0 : i32
        %dma_start3A_198 = tpu.memref_slice %arg2[%add3A_193, %dma_start3A_196, %dma_start3A_197] : memref<65536x2x128xf32, #tpu.memory_space<hbm>> -> memref<64x2x128xf32, #tpu.memory_space<hbm>>
        %dma_start3A_199 = arith.constant 0 : i32
        %dma_start3A_200 = arith.constant 0 : i32
        %dma_start3A_201 = tpu.memref_slice %arg2[%add3A_193, %dma_start3A_199, %dma_start3A_200] : memref<65536x2x128xf32, #tpu.memory_space<hbm>> -> memref<64x2x128xf32, #tpu.memory_space<hbm>>
        tpu.enqueue_dma source(%dma_start3A_201 : memref<64x2x128xf32, #tpu.memory_space<hbm>>) target(%arg6 : memref<64x2x128xf32, #tpu.memory_space<vmem>>) target_semaphore(%arg15 : memref<!tpu.dma_semaphore, #tpu.memory_space<semaphore_mem>>)
        %dma_start3A_202 = tpu.memref_slice %arg3[%mul3A_195] : memref<8388608xi32, #tpu.memory_space<hbm>> -> memref<8192xi32, #tpu.memory_space<hbm>>
        %dma_start3A_203 = tpu.memref_slice %arg3[%mul3A_195] : memref<8388608xi32, #tpu.memory_space<hbm>> -> memref<8192xi32, #tpu.memory_space<hbm>>
        tpu.enqueue_dma source(%dma_start3A_203 : memref<8192xi32, #tpu.memory_space<hbm>>) target(%arg10 : memref<8192xi32, #tpu.memory_space<vmem>>) target_semaphore(%arg19 : memref<!tpu.dma_semaphore, #tpu.memory_space<semaphore_mem>>)
      } else {
      }
      %mul3A_129 = arith.constant 4 : i32
      %mul3A_130 = arith.muli %scan3A_69, %mul3A_129 : i32
      %add3A_131 = arith.constant 2 : i32
      %add3A_132 = arith.addi %mul3A_130, %add3A_131 : i32
      %mul3A_133 = arith.constant 64 : i32
      %mul3A_134 = arith.muli %add3A_132, %mul3A_133 : i32
      %add3A_135 = arith.addi %mul3A_2, %mul3A_134 : i32
      %mul3A_136 = arith.constant 128 : i32
      %mul3A_137 = arith.muli %add3A_135, %mul3A_136 : i32
      %dma_wait3A_138 = arith.constant 0 : i32
      %dma_wait3A_139 = arith.constant 0 : i32
      %dma_wait3A_140 = tpu.memref_slice %arg2[%add3A_135, %dma_wait3A_138, %dma_wait3A_139] : memref<65536x2x128xf32, #tpu.memory_space<hbm>> -> memref<64x2x128xf32, #tpu.memory_space<hbm>>
      %dma_wait3A_141 = arith.constant 0 : i32
      %dma_wait3A_142 = arith.constant 0 : i32
      %dma_wait3A_143 = tpu.memref_slice %arg2[%add3A_135, %dma_wait3A_141, %dma_wait3A_142] : memref<65536x2x128xf32, #tpu.memory_space<hbm>> -> memref<64x2x128xf32, #tpu.memory_space<hbm>>
      tpu.wait_dma2 semaphore(%arg16 : memref<!tpu.dma_semaphore, #tpu.memory_space<semaphore_mem>>) src(%dma_wait3A_143 : memref<64x2x128xf32, #tpu.memory_space<hbm>>) dst(%arg7 : memref<64x2x128xf32, #tpu.memory_space<vmem>>)
      %dma_wait3A_144 = tpu.memref_slice %arg3[%mul3A_137] : memref<8388608xi32, #tpu.memory_space<hbm>> -> memref<8192xi32, #tpu.memory_space<hbm>>
      %dma_wait3A_145 = tpu.memref_slice %arg3[%mul3A_137] : memref<8388608xi32, #tpu.memory_space<hbm>> -> memref<8192xi32, #tpu.memory_space<hbm>>
      tpu.wait_dma2 semaphore(%arg20 : memref<!tpu.dma_semaphore, #tpu.memory_space<semaphore_mem>>) src(%dma_wait3A_145 : memref<8192xi32, #tpu.memory_space<hbm>>) dst(%arg11 : memref<8192xi32, #tpu.memory_space<vmem>>)
      %scan3A_146 = arith.constant 0 : i32
      %scan3A_147 = arith.constant 64 : i32
      %scan3A_148 = arith.addi %scan3A_146, %scan3A_147 : i32
      %scan3A_149 = arith.constant 2 : i32
      %scan3A_150:3 = scf.for %scan3A_189 = %scan3A_146 to %scan3A_148 step %scan3A_149 iter_args(%scan3A_190 = %scan3A_120#0, %scan3A_191 = %scan3A_120#1, %scan3A_192 = %scan3A_120#2) -> (vector<16xi32>, vector<16xi32>, vector<16xi32>)  : i32 {
        %get3A = arith.constant 0 : i32
        %get3A_193 = arith.index_cast %scan3A_189 : i32 to index
        %get3A_194 = arith.index_cast %get3A : i32 to index
        %get3A_195 = arith.constant 0 : index
        %get3A_196 = tpu.vector_load %arg7[%get3A_193, %get3A_194, %get3A_195] {strides = array<i32>} : memref<64x2x128xf32, #tpu.memory_space<vmem>>, vector<16xf32>,
        %get3A_197 = arith.constant 1 : i32
        %get3A_198 = arith.index_cast %scan3A_189 : i32 to index
        %get3A_199 = arith.index_cast %get3A_197 : i32 to index
        %get3A_200 = arith.constant 0 : index
        %get3A_201 = tpu.vector_load %arg7[%get3A_198, %get3A_199, %get3A_200] {strides = array<i32>} : memref<64x2x128xf32, #tpu.memory_space<vmem>>, vector<16xf32>,
        %mul3A_202 = arith.constant 128 : i32
        %mul3A_203 = arith.muli %scan3A_189, %mul3A_202 : i32
        %add3A_204 = arith.constant 0 : i32
        %add3A_205 = arith.addi %mul3A_203, %add3A_204 : i32
        %get3A_206 = arith.index_cast %add3A_205 : i32 to index
        %get3A_207 = tpu.vector_load %arg11[%get3A_206] {strides = array<i32>} : memref<8192xi32, #tpu.memory_space<vmem>>, vector<16xi32>,
        %gt3A = arith.cmpf ogt, %get3A_201, %get3A_196 : vector<16xf32>
        %select_n3A = arith.select %gt3A, %broadcast_in_dim3A_5, %broadcast_in_dim3A_3 : vector<16xi1>, vector<16xi32>
        %add3A_208 = arith.addi %scan3A_190, %select_n3A : vector<16xi32>
        %add3A_209 = arith.addi %scan3A_191, %get3A_207 : vector<16xi32>
        %select_n3A_210 = arith.select %gt3A, %get3A_207, %broadcast_in_dim3A_3 : vector<16xi1>, vector<16xi32>
        %add3A_211 = arith.addi %scan3A_192, %select_n3A_210 : vector<16xi32>
        %get3A_212 = arith.constant 0 : i32
        %get3A_213 = arith.index_cast %scan3A_189 : i32 to index
        %get3A_214 = arith.index_cast %get3A_212 : i32 to index
        %get3A_215 = arith.constant 16 : index
        %get3A_216 = tpu.vector_load %arg7[%get3A_213, %get3A_214, %get3A_215] {strides = array<i32>} : memref<64x2x128xf32, #tpu.memory_space<vmem>>, vector<16xf32>,
        %get3A_217 = arith.constant 1 : i32
        %get3A_218 = arith.index_cast %scan3A_189 : i32 to index
        %get3A_219 = arith.index_cast %get3A_217 : i32 to index
        %get3A_220 = arith.constant 16 : index
        %get3A_221 = tpu.vector_load %arg7[%get3A_218, %get3A_219, %get3A_220] {strides = array<i32>} : memref<64x2x128xf32, #tpu.memory_space<vmem>>, vector<16xf32>,
        %mul3A_222 = arith.constant 128 : i32
        %mul3A_223 = arith.muli %scan3A_189, %mul3A_222 : i32
        %add3A_224 = arith.constant 16 : i32
        %add3A_225 = arith.addi %mul3A_223, %add3A_224 : i32
        %get3A_226 = arith.index_cast %add3A_225 : i32 to index
        %get3A_227 = tpu.vector_load %arg11[%get3A_226] {strides = array<i32>} : memref<8192xi32, #tpu.memory_space<vmem>>, vector<16xi32>,
        %gt3A_228 = arith.cmpf ogt, %get3A_221, %get3A_216 : vector<16xf32>
        %select_n3A_229 = arith.select %gt3A_228, %broadcast_in_dim3A_5, %broadcast_in_dim3A_3 : vector<16xi1>, vector<16xi32>
        %add3A_230 = arith.addi %add3A_208, %select_n3A_229 : vector<16xi32>
        %add3A_231 = arith.addi %add3A_209, %get3A_227 : vector<16xi32>
        %select_n3A_232 = arith.select %gt3A_228, %get3A_227, %broadcast_in_dim3A_3 : vector<16xi1>, vector<16xi32>
        %add3A_233 = arith.addi %add3A_211, %select_n3A_232 : vector<16xi32>
        %get3A_234 = arith.constant 0 : i32
        %get3A_235 = arith.index_cast %scan3A_189 : i32 to index
        %get3A_236 = arith.index_cast %get3A_234 : i32 to index
        %get3A_237 = arith.constant 32 : index
        %get3A_238 = tpu.vector_load %arg7[%get3A_235, %get3A_236, %get3A_237] {strides = array<i32>} : memref<64x2x128xf32, #tpu.memory_space<vmem>>, vector<16xf32>,
        %get3A_239 = arith.constant 1 : i32
        %get3A_240 = arith.index_cast %scan3A_189 : i32 to index
        %get3A_241 = arith.index_cast %get3A_239 : i32 to index
        %get3A_242 = arith.constant 32 : index
        %get3A_243 = tpu.vector_load %arg7[%get3A_240, %get3A_241, %get3A_242] {strides = array<i32>} : memref<64x2x128xf32, #tpu.memory_space<vmem>>, vector<16xf32>,
        %mul3A_244 = arith.constant 128 : i32
        %mul3A_245 = arith.muli %scan3A_189, %mul3A_244 : i32
        %add3A_246 = arith.constant 32 : i32
        %add3A_247 = arith.addi %mul3A_245, %add3A_246 : i32
        %get3A_248 = arith.index_cast %add3A_247 : i32 to index
        %get3A_249 = tpu.vector_load %arg11[%get3A_248] {strides = array<i32>} : memref<8192xi32, #tpu.memory_space<vmem>>, vector<16xi32>,
        %gt3A_250 = arith.cmpf ogt, %get3A_243, %get3A_238 : vector<16xf32>
        %select_n3A_251 = arith.select %gt3A_250, %broadcast_in_dim3A_5, %broadcast_in_dim3A_3 : vector<16xi1>, vector<16xi32>
        %add3A_252 = arith.addi %add3A_230, %select_n3A_251 : vector<16xi32>
        %add3A_253 = arith.addi %add3A_231, %get3A_249 : vector<16xi32>
        %select_n3A_254 = arith.select %gt3A_250, %get3A_249, %broadcast_in_dim3A_3 : vector<16xi1>, vector<16xi32>
        %add3A_255 = arith.addi %add3A_233, %select_n3A_254 : vector<16xi32>
        %get3A_256 = arith.constant 0 : i32
        %get3A_257 = arith.index_cast %scan3A_189 : i32 to index
        %get3A_258 = arith.index_cast %get3A_256 : i32 to index
        %get3A_259 = arith.constant 48 : index
        %get3A_260 = tpu.vector_load %arg7[%get3A_257, %get3A_258, %get3A_259] {strides = array<i32>} : memref<64x2x128xf32, #tpu.memory_space<vmem>>, vector<16xf32>,
        %get3A_261 = arith.constant 1 : i32
        %get3A_262 = arith.index_cast %scan3A_189 : i32 to index
        %get3A_263 = arith.index_cast %get3A_261 : i32 to index
        %get3A_264 = arith.constant 48 : index
        %get3A_265 = tpu.vector_load %arg7[%get3A_262, %get3A_263, %get3A_264] {strides = array<i32>} : memref<64x2x128xf32, #tpu.memory_space<vmem>>, vector<16xf32>,
        %mul3A_266 = arith.constant 128 : i32
        %mul3A_267 = arith.muli %scan3A_189, %mul3A_266 : i32
        %add3A_268 = arith.constant 48 : i32
        %add3A_269 = arith.addi %mul3A_267, %add3A_268 : i32
        %get3A_270 = arith.index_cast %add3A_269 : i32 to index
        %get3A_271 = tpu.vector_load %arg11[%get3A_270] {strides = array<i32>} : memref<8192xi32, #tpu.memory_space<vmem>>, vector<16xi32>,
        %gt3A_272 = arith.cmpf ogt, %get3A_265, %get3A_260 : vector<16xf32>
        %select_n3A_273 = arith.select %gt3A_272, %broadcast_in_dim3A_5, %broadcast_in_dim3A_3 : vector<16xi1>, vector<16xi32>
        %add3A_274 = arith.addi %add3A_252, %select_n3A_273 : vector<16xi32>
        %add3A_275 = arith.addi %add3A_253, %get3A_271 : vector<16xi32>
        %select_n3A_276 = arith.select %gt3A_272, %get3A_271, %broadcast_in_dim3A_3 : vector<16xi1>, vector<16xi32>
        %add3A_277 = arith.addi %add3A_255, %select_n3A_276 : vector<16xi32>
        %get3A_278 = arith.constant 0 : i32
        %get3A_279 = arith.index_cast %scan3A_189 : i32 to index
        %get3A_280 = arith.index_cast %get3A_278 : i32 to index
        %get3A_281 = arith.constant 64 : index
        %get3A_282 = tpu.vector_load %arg7[%get3A_279, %get3A_280, %get3A_281] {strides = array<i32>} : memref<64x2x128xf32, #tpu.memory_space<vmem>>, vector<16xf32>,
        %get3A_283 = arith.constant 1 : i32
        %get3A_284 = arith.index_cast %scan3A_189 : i32 to index
        %get3A_285 = arith.index_cast %get3A_283 : i32 to index
        %get3A_286 = arith.constant 64 : index
        %get3A_287 = tpu.vector_load %arg7[%get3A_284, %get3A_285, %get3A_286] {strides = array<i32>} : memref<64x2x128xf32, #tpu.memory_space<vmem>>, vector<16xf32>,
        %mul3A_288 = arith.constant 128 : i32
        %mul3A_289 = arith.muli %scan3A_189, %mul3A_288 : i32
        %add3A_290 = arith.constant 64 : i32
        %add3A_291 = arith.addi %mul3A_289, %add3A_290 : i32
        %get3A_292 = arith.index_cast %add3A_291 : i32 to index
        %get3A_293 = tpu.vector_load %arg11[%get3A_292] {strides = array<i32>} : memref<8192xi32, #tpu.memory_space<vmem>>, vector<16xi32>,
        %gt3A_294 = arith.cmpf ogt, %get3A_287, %get3A_282 : vector<16xf32>
        %select_n3A_295 = arith.select %gt3A_294, %broadcast_in_dim3A_5, %broadcast_in_dim3A_3 : vector<16xi1>, vector<16xi32>
        %add3A_296 = arith.addi %add3A_274, %select_n3A_295 : vector<16xi32>
        %add3A_297 = arith.addi %add3A_275, %get3A_293 : vector<16xi32>
        %select_n3A_298 = arith.select %gt3A_294, %get3A_293, %broadcast_in_dim3A_3 : vector<16xi1>, vector<16xi32>
        %add3A_299 = arith.addi %add3A_277, %select_n3A_298 : vector<16xi32>
        %get3A_300 = arith.constant 0 : i32
        %get3A_301 = arith.index_cast %scan3A_189 : i32 to index
        %get3A_302 = arith.index_cast %get3A_300 : i32 to index
        %get3A_303 = arith.constant 80 : index
        %get3A_304 = tpu.vector_load %arg7[%get3A_301, %get3A_302, %get3A_303] {strides = array<i32>} : memref<64x2x128xf32, #tpu.memory_space<vmem>>, vector<16xf32>,
        %get3A_305 = arith.constant 1 : i32
        %get3A_306 = arith.index_cast %scan3A_189 : i32 to index
        %get3A_307 = arith.index_cast %get3A_305 : i32 to index
        %get3A_308 = arith.constant 80 : index
        %get3A_309 = tpu.vector_load %arg7[%get3A_306, %get3A_307, %get3A_308] {strides = array<i32>} : memref<64x2x128xf32, #tpu.memory_space<vmem>>, vector<16xf32>,
        %mul3A_310 = arith.constant 128 : i32
        %mul3A_311 = arith.muli %scan3A_189, %mul3A_310 : i32
        %add3A_312 = arith.constant 80 : i32
        %add3A_313 = arith.addi %mul3A_311, %add3A_312 : i32
        %get3A_314 = arith.index_cast %add3A_313 : i32 to index
        %get3A_315 = tpu.vector_load %arg11[%get3A_314] {strides = array<i32>} : memref<8192xi32, #tpu.memory_space<vmem>>, vector<16xi32>,
        %gt3A_316 = arith.cmpf ogt, %get3A_309, %get3A_304 : vector<16xf32>
        %select_n3A_317 = arith.select %gt3A_316, %broadcast_in_dim3A_5, %broadcast_in_dim3A_3 : vector<16xi1>, vector<16xi32>
        %add3A_318 = arith.addi %add3A_296, %select_n3A_317 : vector<16xi32>
        %add3A_319 = arith.addi %add3A_297, %get3A_315 : vector<16xi32>
        %select_n3A_320 = arith.select %gt3A_316, %get3A_315, %broadcast_in_dim3A_3 : vector<16xi1>, vector<16xi32>
        %add3A_321 = arith.addi %add3A_299, %select_n3A_320 : vector<16xi32>
        %get3A_322 = arith.constant 0 : i32
        %get3A_323 = arith.index_cast %scan3A_189 : i32 to index
        %get3A_324 = arith.index_cast %get3A_322 : i32 to index
        %get3A_325 = arith.constant 96 : index
        %get3A_326 = tpu.vector_load %arg7[%get3A_323, %get3A_324, %get3A_325] {strides = array<i32>} : memref<64x2x128xf32, #tpu.memory_space<vmem>>, vector<16xf32>,
        %get3A_327 = arith.constant 1 : i32
        %get3A_328 = arith.index_cast %scan3A_189 : i32 to index
        %get3A_329 = arith.index_cast %get3A_327 : i32 to index
        %get3A_330 = arith.constant 96 : index
        %get3A_331 = tpu.vector_load %arg7[%get3A_328, %get3A_329, %get3A_330] {strides = array<i32>} : memref<64x2x128xf32, #tpu.memory_space<vmem>>, vector<16xf32>,
        %mul3A_332 = arith.constant 128 : i32
        %mul3A_333 = arith.muli %scan3A_189, %mul3A_332 : i32
        %add3A_334 = arith.constant 96 : i32
        %add3A_335 = arith.addi %mul3A_333, %add3A_334 : i32
        %get3A_336 = arith.index_cast %add3A_335 : i32 to index
        %get3A_337 = tpu.vector_load %arg11[%get3A_336] {strides = array<i32>} : memref<8192xi32, #tpu.memory_space<vmem>>, vector<16xi32>,
        %gt3A_338 = arith.cmpf ogt, %get3A_331, %get3A_326 : vector<16xf32>
        %select_n3A_339 = arith.select %gt3A_338, %broadcast_in_dim3A_5, %broadcast_in_dim3A_3 : vector<16xi1>, vector<16xi32>
        %add3A_340 = arith.addi %add3A_318, %select_n3A_339 : vector<16xi32>
        %add3A_341 = arith.addi %add3A_319, %get3A_337 : vector<16xi32>
        %select_n3A_342 = arith.select %gt3A_338, %get3A_337, %broadcast_in_dim3A_3 : vector<16xi1>, vector<16xi32>
        %add3A_343 = arith.addi %add3A_321, %select_n3A_342 : vector<16xi32>
        %get3A_344 = arith.constant 0 : i32
        %get3A_345 = arith.index_cast %scan3A_189 : i32 to index
        %get3A_346 = arith.index_cast %get3A_344 : i32 to index
        %get3A_347 = arith.constant 112 : index
        %get3A_348 = tpu.vector_load %arg7[%get3A_345, %get3A_346, %get3A_347] {strides = array<i32>} : memref<64x2x128xf32, #tpu.memory_space<vmem>>, vector<16xf32>,
        %get3A_349 = arith.constant 1 : i32
        %get3A_350 = arith.index_cast %scan3A_189 : i32 to index
        %get3A_351 = arith.index_cast %get3A_349 : i32 to index
        %get3A_352 = arith.constant 112 : index
        %get3A_353 = tpu.vector_load %arg7[%get3A_350, %get3A_351, %get3A_352] {strides = array<i32>} : memref<64x2x128xf32, #tpu.memory_space<vmem>>, vector<16xf32>,
        %mul3A_354 = arith.constant 128 : i32
        %mul3A_355 = arith.muli %scan3A_189, %mul3A_354 : i32
        %add3A_356 = arith.constant 112 : i32
        %add3A_357 = arith.addi %mul3A_355, %add3A_356 : i32
        %get3A_358 = arith.index_cast %add3A_357 : i32 to index
        %get3A_359 = tpu.vector_load %arg11[%get3A_358] {strides = array<i32>} : memref<8192xi32, #tpu.memory_space<vmem>>, vector<16xi32>,
        %gt3A_360 = arith.cmpf ogt, %get3A_353, %get3A_348 : vector<16xf32>
        %select_n3A_361 = arith.select %gt3A_360, %broadcast_in_dim3A_5, %broadcast_in_dim3A_3 : vector<16xi1>, vector<16xi32>
        %add3A_362 = arith.addi %add3A_340, %select_n3A_361 : vector<16xi32>
        %add3A_363 = arith.addi %add3A_341, %get3A_359 : vector<16xi32>
        %select_n3A_364 = arith.select %gt3A_360, %get3A_359, %broadcast_in_dim3A_3 : vector<16xi1>, vector<16xi32>
        %add3A_365 = arith.addi %add3A_343, %select_n3A_364 : vector<16xi32>
        %scan3A_366 = arith.constant 1 : i32
        %scan3A_367 = arith.addi %scan3A_189, %scan3A_366 : i32
        %get3A_368 = arith.constant 0 : i32
        %get3A_369 = arith.index_cast %scan3A_367 : i32 to index
        %get3A_370 = arith.index_cast %get3A_368 : i32 to index
        %get3A_371 = arith.constant 0 : index
        %get3A_372 = tpu.vector_load %arg7[%get3A_369, %get3A_370, %get3A_371] {strides = array<i32>} : memref<64x2x128xf32, #tpu.memory_space<vmem>>, vector<16xf32>,
        %get3A_373 = arith.constant 1 : i32
        %get3A_374 = arith.index_cast %scan3A_367 : i32 to index
        %get3A_375 = arith.index_cast %get3A_373 : i32 to index
        %get3A_376 = arith.constant 0 : index
        %get3A_377 = tpu.vector_load %arg7[%get3A_374, %get3A_375, %get3A_376] {strides = array<i32>} : memref<64x2x128xf32, #tpu.memory_space<vmem>>, vector<16xf32>,
        %mul3A_378 = arith.constant 128 : i32
        %mul3A_379 = arith.muli %scan3A_367, %mul3A_378 : i32
        %add3A_380 = arith.constant 0 : i32
        %add3A_381 = arith.addi %mul3A_379, %add3A_380 : i32
        %get3A_382 = arith.index_cast %add3A_381 : i32 to index
        %get3A_383 = tpu.vector_load %arg11[%get3A_382] {strides = array<i32>} : memref<8192xi32, #tpu.memory_space<vmem>>, vector<16xi32>,
        %gt3A_384 = arith.cmpf ogt, %get3A_377, %get3A_372 : vector<16xf32>
        %select_n3A_385 = arith.select %gt3A_384, %broadcast_in_dim3A_5, %broadcast_in_dim3A_3 : vector<16xi1>, vector<16xi32>
        %add3A_386 = arith.addi %add3A_362, %select_n3A_385 : vector<16xi32>
        %add3A_387 = arith.addi %add3A_363, %get3A_383 : vector<16xi32>
        %select_n3A_388 = arith.select %gt3A_384, %get3A_383, %broadcast_in_dim3A_3 : vector<16xi1>, vector<16xi32>
        %add3A_389 = arith.addi %add3A_365, %select_n3A_388 : vector<16xi32>
        %get3A_390 = arith.constant 0 : i32
        %get3A_391 = arith.index_cast %scan3A_367 : i32 to index
        %get3A_392 = arith.index_cast %get3A_390 : i32 to index
        %get3A_393 = arith.constant 16 : index
        %get3A_394 = tpu.vector_load %arg7[%get3A_391, %get3A_392, %get3A_393] {strides = array<i32>} : memref<64x2x128xf32, #tpu.memory_space<vmem>>, vector<16xf32>,
        %get3A_395 = arith.constant 1 : i32
        %get3A_396 = arith.index_cast %scan3A_367 : i32 to index
        %get3A_397 = arith.index_cast %get3A_395 : i32 to index
        %get3A_398 = arith.constant 16 : index
        %get3A_399 = tpu.vector_load %arg7[%get3A_396, %get3A_397, %get3A_398] {strides = array<i32>} : memref<64x2x128xf32, #tpu.memory_space<vmem>>, vector<16xf32>,
        %mul3A_400 = arith.constant 128 : i32
        %mul3A_401 = arith.muli %scan3A_367, %mul3A_400 : i32
        %add3A_402 = arith.constant 16 : i32
        %add3A_403 = arith.addi %mul3A_401, %add3A_402 : i32
        %get3A_404 = arith.index_cast %add3A_403 : i32 to index
        %get3A_405 = tpu.vector_load %arg11[%get3A_404] {strides = array<i32>} : memref<8192xi32, #tpu.memory_space<vmem>>, vector<16xi32>,
        %gt3A_406 = arith.cmpf ogt, %get3A_399, %get3A_394 : vector<16xf32>
        %select_n3A_407 = arith.select %gt3A_406, %broadcast_in_dim3A_5, %broadcast_in_dim3A_3 : vector<16xi1>, vector<16xi32>
        %add3A_408 = arith.addi %add3A_386, %select_n3A_407 : vector<16xi32>
        %add3A_409 = arith.addi %add3A_387, %get3A_405 : vector<16xi32>
        %select_n3A_410 = arith.select %gt3A_406, %get3A_405, %broadcast_in_dim3A_3 : vector<16xi1>, vector<16xi32>
        %add3A_411 = arith.addi %add3A_389, %select_n3A_410 : vector<16xi32>
        %get3A_412 = arith.constant 0 : i32
        %get3A_413 = arith.index_cast %scan3A_367 : i32 to index
        %get3A_414 = arith.index_cast %get3A_412 : i32 to index
        %get3A_415 = arith.constant 32 : index
        %get3A_416 = tpu.vector_load %arg7[%get3A_413, %get3A_414, %get3A_415] {strides = array<i32>} : memref<64x2x128xf32, #tpu.memory_space<vmem>>, vector<16xf32>,
        %get3A_417 = arith.constant 1 : i32
        %get3A_418 = arith.index_cast %scan3A_367 : i32 to index
        %get3A_419 = arith.index_cast %get3A_417 : i32 to index
        %get3A_420 = arith.constant 32 : index
        %get3A_421 = tpu.vector_load %arg7[%get3A_418, %get3A_419, %get3A_420] {strides = array<i32>} : memref<64x2x128xf32, #tpu.memory_space<vmem>>, vector<16xf32>,
        %mul3A_422 = arith.constant 128 : i32
        %mul3A_423 = arith.muli %scan3A_367, %mul3A_422 : i32
        %add3A_424 = arith.constant 32 : i32
        %add3A_425 = arith.addi %mul3A_423, %add3A_424 : i32
        %get3A_426 = arith.index_cast %add3A_425 : i32 to index
        %get3A_427 = tpu.vector_load %arg11[%get3A_426] {strides = array<i32>} : memref<8192xi32, #tpu.memory_space<vmem>>, vector<16xi32>,
        %gt3A_428 = arith.cmpf ogt, %get3A_421, %get3A_416 : vector<16xf32>
        %select_n3A_429 = arith.select %gt3A_428, %broadcast_in_dim3A_5, %broadcast_in_dim3A_3 : vector<16xi1>, vector<16xi32>
        %add3A_430 = arith.addi %add3A_408, %select_n3A_429 : vector<16xi32>
        %add3A_431 = arith.addi %add3A_409, %get3A_427 : vector<16xi32>
        %select_n3A_432 = arith.select %gt3A_428, %get3A_427, %broadcast_in_dim3A_3 : vector<16xi1>, vector<16xi32>
        %add3A_433 = arith.addi %add3A_411, %select_n3A_432 : vector<16xi32>
        %get3A_434 = arith.constant 0 : i32
        %get3A_435 = arith.index_cast %scan3A_367 : i32 to index
        %get3A_436 = arith.index_cast %get3A_434 : i32 to index
        %get3A_437 = arith.constant 48 : index
        %get3A_438 = tpu.vector_load %arg7[%get3A_435, %get3A_436, %get3A_437] {strides = array<i32>} : memref<64x2x128xf32, #tpu.memory_space<vmem>>, vector<16xf32>,
        %get3A_439 = arith.constant 1 : i32
        %get3A_440 = arith.index_cast %scan3A_367 : i32 to index
        %get3A_441 = arith.index_cast %get3A_439 : i32 to index
        %get3A_442 = arith.constant 48 : index
        %get3A_443 = tpu.vector_load %arg7[%get3A_440, %get3A_441, %get3A_442] {strides = array<i32>} : memref<64x2x128xf32, #tpu.memory_space<vmem>>, vector<16xf32>,
        %mul3A_444 = arith.constant 128 : i32
        %mul3A_445 = arith.muli %scan3A_367, %mul3A_444 : i32
        %add3A_446 = arith.constant 48 : i32
        %add3A_447 = arith.addi %mul3A_445, %add3A_446 : i32
        %get3A_448 = arith.index_cast %add3A_447 : i32 to index
        %get3A_449 = tpu.vector_load %arg11[%get3A_448] {strides = array<i32>} : memref<8192xi32, #tpu.memory_space<vmem>>, vector<16xi32>,
        %gt3A_450 = arith.cmpf ogt, %get3A_443, %get3A_438 : vector<16xf32>
        %select_n3A_451 = arith.select %gt3A_450, %broadcast_in_dim3A_5, %broadcast_in_dim3A_3 : vector<16xi1>, vector<16xi32>
        %add3A_452 = arith.addi %add3A_430, %select_n3A_451 : vector<16xi32>
        %add3A_453 = arith.addi %add3A_431, %get3A_449 : vector<16xi32>
        %select_n3A_454 = arith.select %gt3A_450, %get3A_449, %broadcast_in_dim3A_3 : vector<16xi1>, vector<16xi32>
        %add3A_455 = arith.addi %add3A_433, %select_n3A_454 : vector<16xi32>
        %get3A_456 = arith.constant 0 : i32
        %get3A_457 = arith.index_cast %scan3A_367 : i32 to index
        %get3A_458 = arith.index_cast %get3A_456 : i32 to index
        %get3A_459 = arith.constant 64 : index
        %get3A_460 = tpu.vector_load %arg7[%get3A_457, %get3A_458, %get3A_459] {strides = array<i32>} : memref<64x2x128xf32, #tpu.memory_space<vmem>>, vector<16xf32>,
        %get3A_461 = arith.constant 1 : i32
        %get3A_462 = arith.index_cast %scan3A_367 : i32 to index
        %get3A_463 = arith.index_cast %get3A_461 : i32 to index
        %get3A_464 = arith.constant 64 : index
        %get3A_465 = tpu.vector_load %arg7[%get3A_462, %get3A_463, %get3A_464] {strides = array<i32>} : memref<64x2x128xf32, #tpu.memory_space<vmem>>, vector<16xf32>,
        %mul3A_466 = arith.constant 128 : i32
        %mul3A_467 = arith.muli %scan3A_367, %mul3A_466 : i32
        %add3A_468 = arith.constant 64 : i32
        %add3A_469 = arith.addi %mul3A_467, %add3A_468 : i32
        %get3A_470 = arith.index_cast %add3A_469 : i32 to index
        %get3A_471 = tpu.vector_load %arg11[%get3A_470] {strides = array<i32>} : memref<8192xi32, #tpu.memory_space<vmem>>, vector<16xi32>,
        %gt3A_472 = arith.cmpf ogt, %get3A_465, %get3A_460 : vector<16xf32>
        %select_n3A_473 = arith.select %gt3A_472, %broadcast_in_dim3A_5, %broadcast_in_dim3A_3 : vector<16xi1>, vector<16xi32>
        %add3A_474 = arith.addi %add3A_452, %select_n3A_473 : vector<16xi32>
        %add3A_475 = arith.addi %add3A_453, %get3A_471 : vector<16xi32>
        %select_n3A_476 = arith.select %gt3A_472, %get3A_471, %broadcast_in_dim3A_3 : vector<16xi1>, vector<16xi32>
        %add3A_477 = arith.addi %add3A_455, %select_n3A_476 : vector<16xi32>
        %get3A_478 = arith.constant 0 : i32
        %get3A_479 = arith.index_cast %scan3A_367 : i32 to index
        %get3A_480 = arith.index_cast %get3A_478 : i32 to index
        %get3A_481 = arith.constant 80 : index
        %get3A_482 = tpu.vector_load %arg7[%get3A_479, %get3A_480, %get3A_481] {strides = array<i32>} : memref<64x2x128xf32, #tpu.memory_space<vmem>>, vector<16xf32>,
        %get3A_483 = arith.constant 1 : i32
        %get3A_484 = arith.index_cast %scan3A_367 : i32 to index
        %get3A_485 = arith.index_cast %get3A_483 : i32 to index
        %get3A_486 = arith.constant 80 : index
        %get3A_487 = tpu.vector_load %arg7[%get3A_484, %get3A_485, %get3A_486] {strides = array<i32>} : memref<64x2x128xf32, #tpu.memory_space<vmem>>, vector<16xf32>,
        %mul3A_488 = arith.constant 128 : i32
        %mul3A_489 = arith.muli %scan3A_367, %mul3A_488 : i32
        %add3A_490 = arith.constant 80 : i32
        %add3A_491 = arith.addi %mul3A_489, %add3A_490 : i32
        %get3A_492 = arith.index_cast %add3A_491 : i32 to index
        %get3A_493 = tpu.vector_load %arg11[%get3A_492] {strides = array<i32>} : memref<8192xi32, #tpu.memory_space<vmem>>, vector<16xi32>,
        %gt3A_494 = arith.cmpf ogt, %get3A_487, %get3A_482 : vector<16xf32>
        %select_n3A_495 = arith.select %gt3A_494, %broadcast_in_dim3A_5, %broadcast_in_dim3A_3 : vector<16xi1>, vector<16xi32>
        %add3A_496 = arith.addi %add3A_474, %select_n3A_495 : vector<16xi32>
        %add3A_497 = arith.addi %add3A_475, %get3A_493 : vector<16xi32>
        %select_n3A_498 = arith.select %gt3A_494, %get3A_493, %broadcast_in_dim3A_3 : vector<16xi1>, vector<16xi32>
        %add3A_499 = arith.addi %add3A_477, %select_n3A_498 : vector<16xi32>
        %get3A_500 = arith.constant 0 : i32
        %get3A_501 = arith.index_cast %scan3A_367 : i32 to index
        %get3A_502 = arith.index_cast %get3A_500 : i32 to index
        %get3A_503 = arith.constant 96 : index
        %get3A_504 = tpu.vector_load %arg7[%get3A_501, %get3A_502, %get3A_503] {strides = array<i32>} : memref<64x2x128xf32, #tpu.memory_space<vmem>>, vector<16xf32>,
        %get3A_505 = arith.constant 1 : i32
        %get3A_506 = arith.index_cast %scan3A_367 : i32 to index
        %get3A_507 = arith.index_cast %get3A_505 : i32 to index
        %get3A_508 = arith.constant 96 : index
        %get3A_509 = tpu.vector_load %arg7[%get3A_506, %get3A_507, %get3A_508] {strides = array<i32>} : memref<64x2x128xf32, #tpu.memory_space<vmem>>, vector<16xf32>,
        %mul3A_510 = arith.constant 128 : i32
        %mul3A_511 = arith.muli %scan3A_367, %mul3A_510 : i32
        %add3A_512 = arith.constant 96 : i32
        %add3A_513 = arith.addi %mul3A_511, %add3A_512 : i32
        %get3A_514 = arith.index_cast %add3A_513 : i32 to index
        %get3A_515 = tpu.vector_load %arg11[%get3A_514] {strides = array<i32>} : memref<8192xi32, #tpu.memory_space<vmem>>, vector<16xi32>,
        %gt3A_516 = arith.cmpf ogt, %get3A_509, %get3A_504 : vector<16xf32>
        %select_n3A_517 = arith.select %gt3A_516, %broadcast_in_dim3A_5, %broadcast_in_dim3A_3 : vector<16xi1>, vector<16xi32>
        %add3A_518 = arith.addi %add3A_496, %select_n3A_517 : vector<16xi32>
        %add3A_519 = arith.addi %add3A_497, %get3A_515 : vector<16xi32>
        %select_n3A_520 = arith.select %gt3A_516, %get3A_515, %broadcast_in_dim3A_3 : vector<16xi1>, vector<16xi32>
        %add3A_521 = arith.addi %add3A_499, %select_n3A_520 : vector<16xi32>
        %get3A_522 = arith.constant 0 : i32
        %get3A_523 = arith.index_cast %scan3A_367 : i32 to index
        %get3A_524 = arith.index_cast %get3A_522 : i32 to index
        %get3A_525 = arith.constant 112 : index
        %get3A_526 = tpu.vector_load %arg7[%get3A_523, %get3A_524, %get3A_525] {strides = array<i32>} : memref<64x2x128xf32, #tpu.memory_space<vmem>>, vector<16xf32>,
        %get3A_527 = arith.constant 1 : i32
        %get3A_528 = arith.index_cast %scan3A_367 : i32 to index
        %get3A_529 = arith.index_cast %get3A_527 : i32 to index
        %get3A_530 = arith.constant 112 : index
        %get3A_531 = tpu.vector_load %arg7[%get3A_528, %get3A_529, %get3A_530] {strides = array<i32>} : memref<64x2x128xf32, #tpu.memory_space<vmem>>, vector<16xf32>,
        %mul3A_532 = arith.constant 128 : i32
        %mul3A_533 = arith.muli %scan3A_367, %mul3A_532 : i32
        %add3A_534 = arith.constant 112 : i32
        %add3A_535 = arith.addi %mul3A_533, %add3A_534 : i32
        %get3A_536 = arith.index_cast %add3A_535 : i32 to index
        %get3A_537 = tpu.vector_load %arg11[%get3A_536] {strides = array<i32>} : memref<8192xi32, #tpu.memory_space<vmem>>, vector<16xi32>,
        %gt3A_538 = arith.cmpf ogt, %get3A_531, %get3A_526 : vector<16xf32>
        %select_n3A_539 = arith.select %gt3A_538, %broadcast_in_dim3A_5, %broadcast_in_dim3A_3 : vector<16xi1>, vector<16xi32>
        %add3A_540 = arith.addi %add3A_518, %select_n3A_539 : vector<16xi32>
        %add3A_541 = arith.addi %add3A_519, %get3A_537 : vector<16xi32>
        %select_n3A_542 = arith.select %gt3A_538, %get3A_537, %broadcast_in_dim3A_3 : vector<16xi1>, vector<16xi32>
        %add3A_543 = arith.addi %add3A_521, %select_n3A_542 : vector<16xi32>
        scf.yield %add3A_540, %add3A_541, %add3A_543 : vector<16xi32>, vector<16xi32>, vector<16xi32>
      }
      %scan3A_151 = arith.constant 64 : i32
      %add3A_152 = arith.constant 4 : i32
      %add3A_153 = arith.addi %add3A_132, %add3A_152 : i32
      %lt3A_154 = arith.constant 32 : i32
      %lt3A_155 = arith.cmpi slt, %add3A_153, %lt3A_154 : i32
      %convert_element_type3A_156 = arith.extui %lt3A_155 : i1 to i32
      %cond3A_157 = arith.constant 0 : i32
      %cond3A_158 = arith.cmpi ne, %convert_element_type3A_156, %cond3A_157 : i32
      scf.if %cond3A_158 {
        %add3A_189 = arith.constant 4 : i32
        %add3A_190 = arith.addi %add3A_132, %add3A_189 : i32
        %mul3A_191 = arith.constant 64 : i32
        %mul3A_192 = arith.muli %add3A_190, %mul3A_191 : i32
        %add3A_193 = arith.addi %mul3A_2, %mul3A_192 : i32
        %mul3A_194 = arith.constant 128 : i32
        %mul3A_195 = arith.muli %add3A_193, %mul3A_194 : i32
        %dma_start3A_196 = arith.constant 0 : i32
        %dma_start3A_197 = arith.constant 0 : i32
        %dma_start3A_198 = tpu.memref_slice %arg2[%add3A_193, %dma_start3A_196, %dma_start3A_197] : memref<65536x2x128xf32, #tpu.memory_space<hbm>> -> memref<64x2x128xf32, #tpu.memory_space<hbm>>
        %dma_start3A_199 = arith.constant 0 : i32
        %dma_start3A_200 = arith.constant 0 : i32
        %dma_start3A_201 = tpu.memref_slice %arg2[%add3A_193, %dma_start3A_199, %dma_start3A_200] : memref<65536x2x128xf32, #tpu.memory_space<hbm>> -> memref<64x2x128xf32, #tpu.memory_space<hbm>>
        tpu.enqueue_dma source(%dma_start3A_201 : memref<64x2x128xf32, #tpu.memory_space<hbm>>) target(%arg7 : memref<64x2x128xf32, #tpu.memory_space<vmem>>) target_semaphore(%arg16 : memref<!tpu.dma_semaphore, #tpu.memory_space<semaphore_mem>>)
        %dma_start3A_202 = tpu.memref_slice %arg3[%mul3A_195] : memref<8388608xi32, #tpu.memory_space<hbm>> -> memref<8192xi32, #tpu.memory_space<hbm>>
        %dma_start3A_203 = tpu.memref_slice %arg3[%mul3A_195] : memref<8388608xi32, #tpu.memory_space<hbm>> -> memref<8192xi32, #tpu.memory_space<hbm>>
        tpu.enqueue_dma source(%dma_start3A_203 : memref<8192xi32, #tpu.memory_space<hbm>>) target(%arg11 : memref<8192xi32, #tpu.memory_space<vmem>>) target_semaphore(%arg20 : memref<!tpu.dma_semaphore, #tpu.memory_space<semaphore_mem>>)
      } else {
      }
      %mul3A_159 = arith.constant 4 : i32
      %mul3A_160 = arith.muli %scan3A_69, %mul3A_159 : i32
      %add3A_161 = arith.constant 3 : i32
      %add3A_162 = arith.addi %mul3A_160, %add3A_161 : i32
      %mul3A_163 = arith.constant 64 : i32
      %mul3A_164 = arith.muli %add3A_162, %mul3A_163 : i32
      %add3A_165 = arith.addi %mul3A_2, %mul3A_164 : i32
      %mul3A_166 = arith.constant 128 : i32
      %mul3A_167 = arith.muli %add3A_165, %mul3A_166 : i32
      %dma_wait3A_168 = arith.constant 0 : i32
      %dma_wait3A_169 = arith.constant 0 : i32
      %dma_wait3A_170 = tpu.memref_slice %arg2[%add3A_165, %dma_wait3A_168, %dma_wait3A_169] : memref<65536x2x128xf32, #tpu.memory_space<hbm>> -> memref<64x2x128xf32, #tpu.memory_space<hbm>>
      %dma_wait3A_171 = arith.constant 0 : i32
      %dma_wait3A_172 = arith.constant 0 : i32
      %dma_wait3A_173 = tpu.memref_slice %arg2[%add3A_165, %dma_wait3A_171, %dma_wait3A_172] : memref<65536x2x128xf32, #tpu.memory_space<hbm>> -> memref<64x2x128xf32, #tpu.memory_space<hbm>>
      tpu.wait_dma2 semaphore(%arg17 : memref<!tpu.dma_semaphore, #tpu.memory_space<semaphore_mem>>) src(%dma_wait3A_173 : memref<64x2x128xf32, #tpu.memory_space<hbm>>) dst(%arg8 : memref<64x2x128xf32, #tpu.memory_space<vmem>>)
      %dma_wait3A_174 = tpu.memref_slice %arg3[%mul3A_167] : memref<8388608xi32, #tpu.memory_space<hbm>> -> memref<8192xi32, #tpu.memory_space<hbm>>
      %dma_wait3A_175 = tpu.memref_slice %arg3[%mul3A_167] : memref<8388608xi32, #tpu.memory_space<hbm>> -> memref<8192xi32, #tpu.memory_space<hbm>>
      tpu.wait_dma2 semaphore(%arg21 : memref<!tpu.dma_semaphore, #tpu.memory_space<semaphore_mem>>) src(%dma_wait3A_175 : memref<8192xi32, #tpu.memory_space<hbm>>) dst(%arg12 : memref<8192xi32, #tpu.memory_space<vmem>>)
      %scan3A_176 = arith.constant 0 : i32
      %scan3A_177 = arith.constant 64 : i32
      %scan3A_178 = arith.addi %scan3A_176, %scan3A_177 : i32
      %scan3A_179 = arith.constant 2 : i32
      %scan3A_180:3 = scf.for %scan3A_189 = %scan3A_176 to %scan3A_178 step %scan3A_179 iter_args(%scan3A_190 = %scan3A_150#0, %scan3A_191 = %scan3A_150#1, %scan3A_192 = %scan3A_150#2) -> (vector<16xi32>, vector<16xi32>, vector<16xi32>)  : i32 {
        %get3A = arith.constant 0 : i32
        %get3A_193 = arith.index_cast %scan3A_189 : i32 to index
        %get3A_194 = arith.index_cast %get3A : i32 to index
        %get3A_195 = arith.constant 0 : index
        %get3A_196 = tpu.vector_load %arg8[%get3A_193, %get3A_194, %get3A_195] {strides = array<i32>} : memref<64x2x128xf32, #tpu.memory_space<vmem>>, vector<16xf32>,
        %get3A_197 = arith.constant 1 : i32
        %get3A_198 = arith.index_cast %scan3A_189 : i32 to index
        %get3A_199 = arith.index_cast %get3A_197 : i32 to index
        %get3A_200 = arith.constant 0 : index
        %get3A_201 = tpu.vector_load %arg8[%get3A_198, %get3A_199, %get3A_200] {strides = array<i32>} : memref<64x2x128xf32, #tpu.memory_space<vmem>>, vector<16xf32>,
        %mul3A_202 = arith.constant 128 : i32
        %mul3A_203 = arith.muli %scan3A_189, %mul3A_202 : i32
        %add3A_204 = arith.constant 0 : i32
        %add3A_205 = arith.addi %mul3A_203, %add3A_204 : i32
        %get3A_206 = arith.index_cast %add3A_205 : i32 to index
        %get3A_207 = tpu.vector_load %arg12[%get3A_206] {strides = array<i32>} : memref<8192xi32, #tpu.memory_space<vmem>>, vector<16xi32>,
        %gt3A = arith.cmpf ogt, %get3A_201, %get3A_196 : vector<16xf32>
        %select_n3A = arith.select %gt3A, %broadcast_in_dim3A_5, %broadcast_in_dim3A_3 : vector<16xi1>, vector<16xi32>
        %add3A_208 = arith.addi %scan3A_190, %select_n3A : vector<16xi32>
        %add3A_209 = arith.addi %scan3A_191, %get3A_207 : vector<16xi32>
        %select_n3A_210 = arith.select %gt3A, %get3A_207, %broadcast_in_dim3A_3 : vector<16xi1>, vector<16xi32>
        %add3A_211 = arith.addi %scan3A_192, %select_n3A_210 : vector<16xi32>
        %get3A_212 = arith.constant 0 : i32
        %get3A_213 = arith.index_cast %scan3A_189 : i32 to index
        %get3A_214 = arith.index_cast %get3A_212 : i32 to index
        %get3A_215 = arith.constant 16 : index
        %get3A_216 = tpu.vector_load %arg8[%get3A_213, %get3A_214, %get3A_215] {strides = array<i32>} : memref<64x2x128xf32, #tpu.memory_space<vmem>>, vector<16xf32>,
        %get3A_217 = arith.constant 1 : i32
        %get3A_218 = arith.index_cast %scan3A_189 : i32 to index
        %get3A_219 = arith.index_cast %get3A_217 : i32 to index
        %get3A_220 = arith.constant 16 : index
        %get3A_221 = tpu.vector_load %arg8[%get3A_218, %get3A_219, %get3A_220] {strides = array<i32>} : memref<64x2x128xf32, #tpu.memory_space<vmem>>, vector<16xf32>,
        %mul3A_222 = arith.constant 128 : i32
        %mul3A_223 = arith.muli %scan3A_189, %mul3A_222 : i32
        %add3A_224 = arith.constant 16 : i32
        %add3A_225 = arith.addi %mul3A_223, %add3A_224 : i32
        %get3A_226 = arith.index_cast %add3A_225 : i32 to index
        %get3A_227 = tpu.vector_load %arg12[%get3A_226] {strides = array<i32>} : memref<8192xi32, #tpu.memory_space<vmem>>, vector<16xi32>,
        %gt3A_228 = arith.cmpf ogt, %get3A_221, %get3A_216 : vector<16xf32>
        %select_n3A_229 = arith.select %gt3A_228, %broadcast_in_dim3A_5, %broadcast_in_dim3A_3 : vector<16xi1>, vector<16xi32>
        %add3A_230 = arith.addi %add3A_208, %select_n3A_229 : vector<16xi32>
        %add3A_231 = arith.addi %add3A_209, %get3A_227 : vector<16xi32>
        %select_n3A_232 = arith.select %gt3A_228, %get3A_227, %broadcast_in_dim3A_3 : vector<16xi1>, vector<16xi32>
        %add3A_233 = arith.addi %add3A_211, %select_n3A_232 : vector<16xi32>
        %get3A_234 = arith.constant 0 : i32
        %get3A_235 = arith.index_cast %scan3A_189 : i32 to index
        %get3A_236 = arith.index_cast %get3A_234 : i32 to index
        %get3A_237 = arith.constant 32 : index
        %get3A_238 = tpu.vector_load %arg8[%get3A_235, %get3A_236, %get3A_237] {strides = array<i32>} : memref<64x2x128xf32, #tpu.memory_space<vmem>>, vector<16xf32>,
        %get3A_239 = arith.constant 1 : i32
        %get3A_240 = arith.index_cast %scan3A_189 : i32 to index
        %get3A_241 = arith.index_cast %get3A_239 : i32 to index
        %get3A_242 = arith.constant 32 : index
        %get3A_243 = tpu.vector_load %arg8[%get3A_240, %get3A_241, %get3A_242] {strides = array<i32>} : memref<64x2x128xf32, #tpu.memory_space<vmem>>, vector<16xf32>,
        %mul3A_244 = arith.constant 128 : i32
        %mul3A_245 = arith.muli %scan3A_189, %mul3A_244 : i32
        %add3A_246 = arith.constant 32 : i32
        %add3A_247 = arith.addi %mul3A_245, %add3A_246 : i32
        %get3A_248 = arith.index_cast %add3A_247 : i32 to index
        %get3A_249 = tpu.vector_load %arg12[%get3A_248] {strides = array<i32>} : memref<8192xi32, #tpu.memory_space<vmem>>, vector<16xi32>,
        %gt3A_250 = arith.cmpf ogt, %get3A_243, %get3A_238 : vector<16xf32>
        %select_n3A_251 = arith.select %gt3A_250, %broadcast_in_dim3A_5, %broadcast_in_dim3A_3 : vector<16xi1>, vector<16xi32>
        %add3A_252 = arith.addi %add3A_230, %select_n3A_251 : vector<16xi32>
        %add3A_253 = arith.addi %add3A_231, %get3A_249 : vector<16xi32>
        %select_n3A_254 = arith.select %gt3A_250, %get3A_249, %broadcast_in_dim3A_3 : vector<16xi1>, vector<16xi32>
        %add3A_255 = arith.addi %add3A_233, %select_n3A_254 : vector<16xi32>
        %get3A_256 = arith.constant 0 : i32
        %get3A_257 = arith.index_cast %scan3A_189 : i32 to index
        %get3A_258 = arith.index_cast %get3A_256 : i32 to index
        %get3A_259 = arith.constant 48 : index
        %get3A_260 = tpu.vector_load %arg8[%get3A_257, %get3A_258, %get3A_259] {strides = array<i32>} : memref<64x2x128xf32, #tpu.memory_space<vmem>>, vector<16xf32>,
        %get3A_261 = arith.constant 1 : i32
        %get3A_262 = arith.index_cast %scan3A_189 : i32 to index
        %get3A_263 = arith.index_cast %get3A_261 : i32 to index
        %get3A_264 = arith.constant 48 : index
        %get3A_265 = tpu.vector_load %arg8[%get3A_262, %get3A_263, %get3A_264] {strides = array<i32>} : memref<64x2x128xf32, #tpu.memory_space<vmem>>, vector<16xf32>,
        %mul3A_266 = arith.constant 128 : i32
        %mul3A_267 = arith.muli %scan3A_189, %mul3A_266 : i32
        %add3A_268 = arith.constant 48 : i32
        %add3A_269 = arith.addi %mul3A_267, %add3A_268 : i32
        %get3A_270 = arith.index_cast %add3A_269 : i32 to index
        %get3A_271 = tpu.vector_load %arg12[%get3A_270] {strides = array<i32>} : memref<8192xi32, #tpu.memory_space<vmem>>, vector<16xi32>,
        %gt3A_272 = arith.cmpf ogt, %get3A_265, %get3A_260 : vector<16xf32>
        %select_n3A_273 = arith.select %gt3A_272, %broadcast_in_dim3A_5, %broadcast_in_dim3A_3 : vector<16xi1>, vector<16xi32>
        %add3A_274 = arith.addi %add3A_252, %select_n3A_273 : vector<16xi32>
        %add3A_275 = arith.addi %add3A_253, %get3A_271 : vector<16xi32>
        %select_n3A_276 = arith.select %gt3A_272, %get3A_271, %broadcast_in_dim3A_3 : vector<16xi1>, vector<16xi32>
        %add3A_277 = arith.addi %add3A_255, %select_n3A_276 : vector<16xi32>
        %get3A_278 = arith.constant 0 : i32
        %get3A_279 = arith.index_cast %scan3A_189 : i32 to index
        %get3A_280 = arith.index_cast %get3A_278 : i32 to index
        %get3A_281 = arith.constant 64 : index
        %get3A_282 = tpu.vector_load %arg8[%get3A_279, %get3A_280, %get3A_281] {strides = array<i32>} : memref<64x2x128xf32, #tpu.memory_space<vmem>>, vector<16xf32>,
        %get3A_283 = arith.constant 1 : i32
        %get3A_284 = arith.index_cast %scan3A_189 : i32 to index
        %get3A_285 = arith.index_cast %get3A_283 : i32 to index
        %get3A_286 = arith.constant 64 : index
        %get3A_287 = tpu.vector_load %arg8[%get3A_284, %get3A_285, %get3A_286] {strides = array<i32>} : memref<64x2x128xf32, #tpu.memory_space<vmem>>, vector<16xf32>,
        %mul3A_288 = arith.constant 128 : i32
        %mul3A_289 = arith.muli %scan3A_189, %mul3A_288 : i32
        %add3A_290 = arith.constant 64 : i32
        %add3A_291 = arith.addi %mul3A_289, %add3A_290 : i32
        %get3A_292 = arith.index_cast %add3A_291 : i32 to index
        %get3A_293 = tpu.vector_load %arg12[%get3A_292] {strides = array<i32>} : memref<8192xi32, #tpu.memory_space<vmem>>, vector<16xi32>,
        %gt3A_294 = arith.cmpf ogt, %get3A_287, %get3A_282 : vector<16xf32>
        %select_n3A_295 = arith.select %gt3A_294, %broadcast_in_dim3A_5, %broadcast_in_dim3A_3 : vector<16xi1>, vector<16xi32>
        %add3A_296 = arith.addi %add3A_274, %select_n3A_295 : vector<16xi32>
        %add3A_297 = arith.addi %add3A_275, %get3A_293 : vector<16xi32>
        %select_n3A_298 = arith.select %gt3A_294, %get3A_293, %broadcast_in_dim3A_3 : vector<16xi1>, vector<16xi32>
        %add3A_299 = arith.addi %add3A_277, %select_n3A_298 : vector<16xi32>
        %get3A_300 = arith.constant 0 : i32
        %get3A_301 = arith.index_cast %scan3A_189 : i32 to index
        %get3A_302 = arith.index_cast %get3A_300 : i32 to index
        %get3A_303 = arith.constant 80 : index
        %get3A_304 = tpu.vector_load %arg8[%get3A_301, %get3A_302, %get3A_303] {strides = array<i32>} : memref<64x2x128xf32, #tpu.memory_space<vmem>>, vector<16xf32>,
        %get3A_305 = arith.constant 1 : i32
        %get3A_306 = arith.index_cast %scan3A_189 : i32 to index
        %get3A_307 = arith.index_cast %get3A_305 : i32 to index
        %get3A_308 = arith.constant 80 : index
        %get3A_309 = tpu.vector_load %arg8[%get3A_306, %get3A_307, %get3A_308] {strides = array<i32>} : memref<64x2x128xf32, #tpu.memory_space<vmem>>, vector<16xf32>,
        %mul3A_310 = arith.constant 128 : i32
        %mul3A_311 = arith.muli %scan3A_189, %mul3A_310 : i32
        %add3A_312 = arith.constant 80 : i32
        %add3A_313 = arith.addi %mul3A_311, %add3A_312 : i32
        %get3A_314 = arith.index_cast %add3A_313 : i32 to index
        %get3A_315 = tpu.vector_load %arg12[%get3A_314] {strides = array<i32>} : memref<8192xi32, #tpu.memory_space<vmem>>, vector<16xi32>,
        %gt3A_316 = arith.cmpf ogt, %get3A_309, %get3A_304 : vector<16xf32>
        %select_n3A_317 = arith.select %gt3A_316, %broadcast_in_dim3A_5, %broadcast_in_dim3A_3 : vector<16xi1>, vector<16xi32>
        %add3A_318 = arith.addi %add3A_296, %select_n3A_317 : vector<16xi32>
        %add3A_319 = arith.addi %add3A_297, %get3A_315 : vector<16xi32>
        %select_n3A_320 = arith.select %gt3A_316, %get3A_315, %broadcast_in_dim3A_3 : vector<16xi1>, vector<16xi32>
        %add3A_321 = arith.addi %add3A_299, %select_n3A_320 : vector<16xi32>
        %get3A_322 = arith.constant 0 : i32
        %get3A_323 = arith.index_cast %scan3A_189 : i32 to index
        %get3A_324 = arith.index_cast %get3A_322 : i32 to index
        %get3A_325 = arith.constant 96 : index
        %get3A_326 = tpu.vector_load %arg8[%get3A_323, %get3A_324, %get3A_325] {strides = array<i32>} : memref<64x2x128xf32, #tpu.memory_space<vmem>>, vector<16xf32>,
        %get3A_327 = arith.constant 1 : i32
        %get3A_328 = arith.index_cast %scan3A_189 : i32 to index
        %get3A_329 = arith.index_cast %get3A_327 : i32 to index
        %get3A_330 = arith.constant 96 : index
        %get3A_331 = tpu.vector_load %arg8[%get3A_328, %get3A_329, %get3A_330] {strides = array<i32>} : memref<64x2x128xf32, #tpu.memory_space<vmem>>, vector<16xf32>,
        %mul3A_332 = arith.constant 128 : i32
        %mul3A_333 = arith.muli %scan3A_189, %mul3A_332 : i32
        %add3A_334 = arith.constant 96 : i32
        %add3A_335 = arith.addi %mul3A_333, %add3A_334 : i32
        %get3A_336 = arith.index_cast %add3A_335 : i32 to index
        %get3A_337 = tpu.vector_load %arg12[%get3A_336] {strides = array<i32>} : memref<8192xi32, #tpu.memory_space<vmem>>, vector<16xi32>,
        %gt3A_338 = arith.cmpf ogt, %get3A_331, %get3A_326 : vector<16xf32>
        %select_n3A_339 = arith.select %gt3A_338, %broadcast_in_dim3A_5, %broadcast_in_dim3A_3 : vector<16xi1>, vector<16xi32>
        %add3A_340 = arith.addi %add3A_318, %select_n3A_339 : vector<16xi32>
        %add3A_341 = arith.addi %add3A_319, %get3A_337 : vector<16xi32>
        %select_n3A_342 = arith.select %gt3A_338, %get3A_337, %broadcast_in_dim3A_3 : vector<16xi1>, vector<16xi32>
        %add3A_343 = arith.addi %add3A_321, %select_n3A_342 : vector<16xi32>
        %get3A_344 = arith.constant 0 : i32
        %get3A_345 = arith.index_cast %scan3A_189 : i32 to index
        %get3A_346 = arith.index_cast %get3A_344 : i32 to index
        %get3A_347 = arith.constant 112 : index
        %get3A_348 = tpu.vector_load %arg8[%get3A_345, %get3A_346, %get3A_347] {strides = array<i32>} : memref<64x2x128xf32, #tpu.memory_space<vmem>>, vector<16xf32>,
        %get3A_349 = arith.constant 1 : i32
        %get3A_350 = arith.index_cast %scan3A_189 : i32 to index
        %get3A_351 = arith.index_cast %get3A_349 : i32 to index
        %get3A_352 = arith.constant 112 : index
        %get3A_353 = tpu.vector_load %arg8[%get3A_350, %get3A_351, %get3A_352] {strides = array<i32>} : memref<64x2x128xf32, #tpu.memory_space<vmem>>, vector<16xf32>,
        %mul3A_354 = arith.constant 128 : i32
        %mul3A_355 = arith.muli %scan3A_189, %mul3A_354 : i32
        %add3A_356 = arith.constant 112 : i32
        %add3A_357 = arith.addi %mul3A_355, %add3A_356 : i32
        %get3A_358 = arith.index_cast %add3A_357 : i32 to index
        %get3A_359 = tpu.vector_load %arg12[%get3A_358] {strides = array<i32>} : memref<8192xi32, #tpu.memory_space<vmem>>, vector<16xi32>,
        %gt3A_360 = arith.cmpf ogt, %get3A_353, %get3A_348 : vector<16xf32>
        %select_n3A_361 = arith.select %gt3A_360, %broadcast_in_dim3A_5, %broadcast_in_dim3A_3 : vector<16xi1>, vector<16xi32>
        %add3A_362 = arith.addi %add3A_340, %select_n3A_361 : vector<16xi32>
        %add3A_363 = arith.addi %add3A_341, %get3A_359 : vector<16xi32>
        %select_n3A_364 = arith.select %gt3A_360, %get3A_359, %broadcast_in_dim3A_3 : vector<16xi1>, vector<16xi32>
        %add3A_365 = arith.addi %add3A_343, %select_n3A_364 : vector<16xi32>
        %scan3A_366 = arith.constant 1 : i32
        %scan3A_367 = arith.addi %scan3A_189, %scan3A_366 : i32
        %get3A_368 = arith.constant 0 : i32
        %get3A_369 = arith.index_cast %scan3A_367 : i32 to index
        %get3A_370 = arith.index_cast %get3A_368 : i32 to index
        %get3A_371 = arith.constant 0 : index
        %get3A_372 = tpu.vector_load %arg8[%get3A_369, %get3A_370, %get3A_371] {strides = array<i32>} : memref<64x2x128xf32, #tpu.memory_space<vmem>>, vector<16xf32>,
        %get3A_373 = arith.constant 1 : i32
        %get3A_374 = arith.index_cast %scan3A_367 : i32 to index
        %get3A_375 = arith.index_cast %get3A_373 : i32 to index
        %get3A_376 = arith.constant 0 : index
        %get3A_377 = tpu.vector_load %arg8[%get3A_374, %get3A_375, %get3A_376] {strides = array<i32>} : memref<64x2x128xf32, #tpu.memory_space<vmem>>, vector<16xf32>,
        %mul3A_378 = arith.constant 128 : i32
        %mul3A_379 = arith.muli %scan3A_367, %mul3A_378 : i32
        %add3A_380 = arith.constant 0 : i32
        %add3A_381 = arith.addi %mul3A_379, %add3A_380 : i32
        %get3A_382 = arith.index_cast %add3A_381 : i32 to index
        %get3A_383 = tpu.vector_load %arg12[%get3A_382] {strides = array<i32>} : memref<8192xi32, #tpu.memory_space<vmem>>, vector<16xi32>,
        %gt3A_384 = arith.cmpf ogt, %get3A_377, %get3A_372 : vector<16xf32>
        %select_n3A_385 = arith.select %gt3A_384, %broadcast_in_dim3A_5, %broadcast_in_dim3A_3 : vector<16xi1>, vector<16xi32>
        %add3A_386 = arith.addi %add3A_362, %select_n3A_385 : vector<16xi32>
        %add3A_387 = arith.addi %add3A_363, %get3A_383 : vector<16xi32>
        %select_n3A_388 = arith.select %gt3A_384, %get3A_383, %broadcast_in_dim3A_3 : vector<16xi1>, vector<16xi32>
        %add3A_389 = arith.addi %add3A_365, %select_n3A_388 : vector<16xi32>
        %get3A_390 = arith.constant 0 : i32
        %get3A_391 = arith.index_cast %scan3A_367 : i32 to index
        %get3A_392 = arith.index_cast %get3A_390 : i32 to index
        %get3A_393 = arith.constant 16 : index
        %get3A_394 = tpu.vector_load %arg8[%get3A_391, %get3A_392, %get3A_393] {strides = array<i32>} : memref<64x2x128xf32, #tpu.memory_space<vmem>>, vector<16xf32>,
        %get3A_395 = arith.constant 1 : i32
        %get3A_396 = arith.index_cast %scan3A_367 : i32 to index
        %get3A_397 = arith.index_cast %get3A_395 : i32 to index
        %get3A_398 = arith.constant 16 : index
        %get3A_399 = tpu.vector_load %arg8[%get3A_396, %get3A_397, %get3A_398] {strides = array<i32>} : memref<64x2x128xf32, #tpu.memory_space<vmem>>, vector<16xf32>,
        %mul3A_400 = arith.constant 128 : i32
        %mul3A_401 = arith.muli %scan3A_367, %mul3A_400 : i32
        %add3A_402 = arith.constant 16 : i32
        %add3A_403 = arith.addi %mul3A_401, %add3A_402 : i32
        %get3A_404 = arith.index_cast %add3A_403 : i32 to index
        %get3A_405 = tpu.vector_load %arg12[%get3A_404] {strides = array<i32>} : memref<8192xi32, #tpu.memory_space<vmem>>, vector<16xi32>,
        %gt3A_406 = arith.cmpf ogt, %get3A_399, %get3A_394 : vector<16xf32>
        %select_n3A_407 = arith.select %gt3A_406, %broadcast_in_dim3A_5, %broadcast_in_dim3A_3 : vector<16xi1>, vector<16xi32>
        %add3A_408 = arith.addi %add3A_386, %select_n3A_407 : vector<16xi32>
        %add3A_409 = arith.addi %add3A_387, %get3A_405 : vector<16xi32>
        %select_n3A_410 = arith.select %gt3A_406, %get3A_405, %broadcast_in_dim3A_3 : vector<16xi1>, vector<16xi32>
        %add3A_411 = arith.addi %add3A_389, %select_n3A_410 : vector<16xi32>
        %get3A_412 = arith.constant 0 : i32
        %get3A_413 = arith.index_cast %scan3A_367 : i32 to index
        %get3A_414 = arith.index_cast %get3A_412 : i32 to index
        %get3A_415 = arith.constant 32 : index
        %get3A_416 = tpu.vector_load %arg8[%get3A_413, %get3A_414, %get3A_415] {strides = array<i32>} : memref<64x2x128xf32, #tpu.memory_space<vmem>>, vector<16xf32>,
        %get3A_417 = arith.constant 1 : i32
        %get3A_418 = arith.index_cast %scan3A_367 : i32 to index
        %get3A_419 = arith.index_cast %get3A_417 : i32 to index
        %get3A_420 = arith.constant 32 : index
        %get3A_421 = tpu.vector_load %arg8[%get3A_418, %get3A_419, %get3A_420] {strides = array<i32>} : memref<64x2x128xf32, #tpu.memory_space<vmem>>, vector<16xf32>,
        %mul3A_422 = arith.constant 128 : i32
        %mul3A_423 = arith.muli %scan3A_367, %mul3A_422 : i32
        %add3A_424 = arith.constant 32 : i32
        %add3A_425 = arith.addi %mul3A_423, %add3A_424 : i32
        %get3A_426 = arith.index_cast %add3A_425 : i32 to index
        %get3A_427 = tpu.vector_load %arg12[%get3A_426] {strides = array<i32>} : memref<8192xi32, #tpu.memory_space<vmem>>, vector<16xi32>,
        %gt3A_428 = arith.cmpf ogt, %get3A_421, %get3A_416 : vector<16xf32>
        %select_n3A_429 = arith.select %gt3A_428, %broadcast_in_dim3A_5, %broadcast_in_dim3A_3 : vector<16xi1>, vector<16xi32>
        %add3A_430 = arith.addi %add3A_408, %select_n3A_429 : vector<16xi32>
        %add3A_431 = arith.addi %add3A_409, %get3A_427 : vector<16xi32>
        %select_n3A_432 = arith.select %gt3A_428, %get3A_427, %broadcast_in_dim3A_3 : vector<16xi1>, vector<16xi32>
        %add3A_433 = arith.addi %add3A_411, %select_n3A_432 : vector<16xi32>
        %get3A_434 = arith.constant 0 : i32
        %get3A_435 = arith.index_cast %scan3A_367 : i32 to index
        %get3A_436 = arith.index_cast %get3A_434 : i32 to index
        %get3A_437 = arith.constant 48 : index
        %get3A_438 = tpu.vector_load %arg8[%get3A_435, %get3A_436, %get3A_437] {strides = array<i32>} : memref<64x2x128xf32, #tpu.memory_space<vmem>>, vector<16xf32>,
        %get3A_439 = arith.constant 1 : i32
        %get3A_440 = arith.index_cast %scan3A_367 : i32 to index
        %get3A_441 = arith.index_cast %get3A_439 : i32 to index
        %get3A_442 = arith.constant 48 : index
        %get3A_443 = tpu.vector_load %arg8[%get3A_440, %get3A_441, %get3A_442] {strides = array<i32>} : memref<64x2x128xf32, #tpu.memory_space<vmem>>, vector<16xf32>,
        %mul3A_444 = arith.constant 128 : i32
        %mul3A_445 = arith.muli %scan3A_367, %mul3A_444 : i32
        %add3A_446 = arith.constant 48 : i32
        %add3A_447 = arith.addi %mul3A_445, %add3A_446 : i32
        %get3A_448 = arith.index_cast %add3A_447 : i32 to index
        %get3A_449 = tpu.vector_load %arg12[%get3A_448] {strides = array<i32>} : memref<8192xi32, #tpu.memory_space<vmem>>, vector<16xi32>,
        %gt3A_450 = arith.cmpf ogt, %get3A_443, %get3A_438 : vector<16xf32>
        %select_n3A_451 = arith.select %gt3A_450, %broadcast_in_dim3A_5, %broadcast_in_dim3A_3 : vector<16xi1>, vector<16xi32>
        %add3A_452 = arith.addi %add3A_430, %select_n3A_451 : vector<16xi32>
        %add3A_453 = arith.addi %add3A_431, %get3A_449 : vector<16xi32>
        %select_n3A_454 = arith.select %gt3A_450, %get3A_449, %broadcast_in_dim3A_3 : vector<16xi1>, vector<16xi32>
        %add3A_455 = arith.addi %add3A_433, %select_n3A_454 : vector<16xi32>
        %get3A_456 = arith.constant 0 : i32
        %get3A_457 = arith.index_cast %scan3A_367 : i32 to index
        %get3A_458 = arith.index_cast %get3A_456 : i32 to index
        %get3A_459 = arith.constant 64 : index
        %get3A_460 = tpu.vector_load %arg8[%get3A_457, %get3A_458, %get3A_459] {strides = array<i32>} : memref<64x2x128xf32, #tpu.memory_space<vmem>>, vector<16xf32>,
        %get3A_461 = arith.constant 1 : i32
        %get3A_462 = arith.index_cast %scan3A_367 : i32 to index
        %get3A_463 = arith.index_cast %get3A_461 : i32 to index
        %get3A_464 = arith.constant 64 : index
        %get3A_465 = tpu.vector_load %arg8[%get3A_462, %get3A_463, %get3A_464] {strides = array<i32>} : memref<64x2x128xf32, #tpu.memory_space<vmem>>, vector<16xf32>,
        %mul3A_466 = arith.constant 128 : i32
        %mul3A_467 = arith.muli %scan3A_367, %mul3A_466 : i32
        %add3A_468 = arith.constant 64 : i32
        %add3A_469 = arith.addi %mul3A_467, %add3A_468 : i32
        %get3A_470 = arith.index_cast %add3A_469 : i32 to index
        %get3A_471 = tpu.vector_load %arg12[%get3A_470] {strides = array<i32>} : memref<8192xi32, #tpu.memory_space<vmem>>, vector<16xi32>,
        %gt3A_472 = arith.cmpf ogt, %get3A_465, %get3A_460 : vector<16xf32>
        %select_n3A_473 = arith.select %gt3A_472, %broadcast_in_dim3A_5, %broadcast_in_dim3A_3 : vector<16xi1>, vector<16xi32>
        %add3A_474 = arith.addi %add3A_452, %select_n3A_473 : vector<16xi32>
        %add3A_475 = arith.addi %add3A_453, %get3A_471 : vector<16xi32>
        %select_n3A_476 = arith.select %gt3A_472, %get3A_471, %broadcast_in_dim3A_3 : vector<16xi1>, vector<16xi32>
        %add3A_477 = arith.addi %add3A_455, %select_n3A_476 : vector<16xi32>
        %get3A_478 = arith.constant 0 : i32
        %get3A_479 = arith.index_cast %scan3A_367 : i32 to index
        %get3A_480 = arith.index_cast %get3A_478 : i32 to index
        %get3A_481 = arith.constant 80 : index
        %get3A_482 = tpu.vector_load %arg8[%get3A_479, %get3A_480, %get3A_481] {strides = array<i32>} : memref<64x2x128xf32, #tpu.memory_space<vmem>>, vector<16xf32>,
        %get3A_483 = arith.constant 1 : i32
        %get3A_484 = arith.index_cast %scan3A_367 : i32 to index
        %get3A_485 = arith.index_cast %get3A_483 : i32 to index
        %get3A_486 = arith.constant 80 : index
        %get3A_487 = tpu.vector_load %arg8[%get3A_484, %get3A_485, %get3A_486] {strides = array<i32>} : memref<64x2x128xf32, #tpu.memory_space<vmem>>, vector<16xf32>,
        %mul3A_488 = arith.constant 128 : i32
        %mul3A_489 = arith.muli %scan3A_367, %mul3A_488 : i32
        %add3A_490 = arith.constant 80 : i32
        %add3A_491 = arith.addi %mul3A_489, %add3A_490 : i32
        %get3A_492 = arith.index_cast %add3A_491 : i32 to index
        %get3A_493 = tpu.vector_load %arg12[%get3A_492] {strides = array<i32>} : memref<8192xi32, #tpu.memory_space<vmem>>, vector<16xi32>,
        %gt3A_494 = arith.cmpf ogt, %get3A_487, %get3A_482 : vector<16xf32>
        %select_n3A_495 = arith.select %gt3A_494, %broadcast_in_dim3A_5, %broadcast_in_dim3A_3 : vector<16xi1>, vector<16xi32>
        %add3A_496 = arith.addi %add3A_474, %select_n3A_495 : vector<16xi32>
        %add3A_497 = arith.addi %add3A_475, %get3A_493 : vector<16xi32>
        %select_n3A_498 = arith.select %gt3A_494, %get3A_493, %broadcast_in_dim3A_3 : vector<16xi1>, vector<16xi32>
        %add3A_499 = arith.addi %add3A_477, %select_n3A_498 : vector<16xi32>
        %get3A_500 = arith.constant 0 : i32
        %get3A_501 = arith.index_cast %scan3A_367 : i32 to index
        %get3A_502 = arith.index_cast %get3A_500 : i32 to index
        %get3A_503 = arith.constant 96 : index
        %get3A_504 = tpu.vector_load %arg8[%get3A_501, %get3A_502, %get3A_503] {strides = array<i32>} : memref<64x2x128xf32, #tpu.memory_space<vmem>>, vector<16xf32>,
        %get3A_505 = arith.constant 1 : i32
        %get3A_506 = arith.index_cast %scan3A_367 : i32 to index
        %get3A_507 = arith.index_cast %get3A_505 : i32 to index
        %get3A_508 = arith.constant 96 : index
        %get3A_509 = tpu.vector_load %arg8[%get3A_506, %get3A_507, %get3A_508] {strides = array<i32>} : memref<64x2x128xf32, #tpu.memory_space<vmem>>, vector<16xf32>,
        %mul3A_510 = arith.constant 128 : i32
        %mul3A_511 = arith.muli %scan3A_367, %mul3A_510 : i32
        %add3A_512 = arith.constant 96 : i32
        %add3A_513 = arith.addi %mul3A_511, %add3A_512 : i32
        %get3A_514 = arith.index_cast %add3A_513 : i32 to index
        %get3A_515 = tpu.vector_load %arg12[%get3A_514] {strides = array<i32>} : memref<8192xi32, #tpu.memory_space<vmem>>, vector<16xi32>,
        %gt3A_516 = arith.cmpf ogt, %get3A_509, %get3A_504 : vector<16xf32>
        %select_n3A_517 = arith.select %gt3A_516, %broadcast_in_dim3A_5, %broadcast_in_dim3A_3 : vector<16xi1>, vector<16xi32>
        %add3A_518 = arith.addi %add3A_496, %select_n3A_517 : vector<16xi32>
        %add3A_519 = arith.addi %add3A_497, %get3A_515 : vector<16xi32>
        %select_n3A_520 = arith.select %gt3A_516, %get3A_515, %broadcast_in_dim3A_3 : vector<16xi1>, vector<16xi32>
        %add3A_521 = arith.addi %add3A_499, %select_n3A_520 : vector<16xi32>
        %get3A_522 = arith.constant 0 : i32
        %get3A_523 = arith.index_cast %scan3A_367 : i32 to index
        %get3A_524 = arith.index_cast %get3A_522 : i32 to index
        %get3A_525 = arith.constant 112 : index
        %get3A_526 = tpu.vector_load %arg8[%get3A_523, %get3A_524, %get3A_525] {strides = array<i32>} : memref<64x2x128xf32, #tpu.memory_space<vmem>>, vector<16xf32>,
        %get3A_527 = arith.constant 1 : i32
        %get3A_528 = arith.index_cast %scan3A_367 : i32 to index
        %get3A_529 = arith.index_cast %get3A_527 : i32 to index
        %get3A_530 = arith.constant 112 : index
        %get3A_531 = tpu.vector_load %arg8[%get3A_528, %get3A_529, %get3A_530] {strides = array<i32>} : memref<64x2x128xf32, #tpu.memory_space<vmem>>, vector<16xf32>,
        %mul3A_532 = arith.constant 128 : i32
        %mul3A_533 = arith.muli %scan3A_367, %mul3A_532 : i32
        %add3A_534 = arith.constant 112 : i32
        %add3A_535 = arith.addi %mul3A_533, %add3A_534 : i32
        %get3A_536 = arith.index_cast %add3A_535 : i32 to index
        %get3A_537 = tpu.vector_load %arg12[%get3A_536] {strides = array<i32>} : memref<8192xi32, #tpu.memory_space<vmem>>, vector<16xi32>,
        %gt3A_538 = arith.cmpf ogt, %get3A_531, %get3A_526 : vector<16xf32>
        %select_n3A_539 = arith.select %gt3A_538, %broadcast_in_dim3A_5, %broadcast_in_dim3A_3 : vector<16xi1>, vector<16xi32>
        %add3A_540 = arith.addi %add3A_518, %select_n3A_539 : vector<16xi32>
        %add3A_541 = arith.addi %add3A_519, %get3A_537 : vector<16xi32>
        %select_n3A_542 = arith.select %gt3A_538, %get3A_537, %broadcast_in_dim3A_3 : vector<16xi1>, vector<16xi32>
        %add3A_543 = arith.addi %add3A_521, %select_n3A_542 : vector<16xi32>
        scf.yield %add3A_540, %add3A_541, %add3A_543 : vector<16xi32>, vector<16xi32>, vector<16xi32>
      }
      %scan3A_181 = arith.constant 64 : i32
      %add3A_182 = arith.constant 4 : i32
      %add3A_183 = arith.addi %add3A_162, %add3A_182 : i32
      %lt3A_184 = arith.constant 32 : i32
      %lt3A_185 = arith.cmpi slt, %add3A_183, %lt3A_184 : i32
      %convert_element_type3A_186 = arith.extui %lt3A_185 : i1 to i32
      %cond3A_187 = arith.constant 0 : i32
      %cond3A_188 = arith.cmpi ne, %convert_element_type3A_186, %cond3A_187 : i32
      scf.if %cond3A_188 {
        %add3A_189 = arith.constant 4 : i32
        %add3A_190 = arith.addi %add3A_162, %add3A_189 : i32
        %mul3A_191 = arith.constant 64 : i32
        %mul3A_192 = arith.muli %add3A_190, %mul3A_191 : i32
        %add3A_193 = arith.addi %mul3A_2, %mul3A_192 : i32
        %mul3A_194 = arith.constant 128 : i32
        %mul3A_195 = arith.muli %add3A_193, %mul3A_194 : i32
        %dma_start3A_196 = arith.constant 0 : i32
        %dma_start3A_197 = arith.constant 0 : i32
        %dma_start3A_198 = tpu.memref_slice %arg2[%add3A_193, %dma_start3A_196, %dma_start3A_197] : memref<65536x2x128xf32, #tpu.memory_space<hbm>> -> memref<64x2x128xf32, #tpu.memory_space<hbm>>
        %dma_start3A_199 = arith.constant 0 : i32
        %dma_start3A_200 = arith.constant 0 : i32
        %dma_start3A_201 = tpu.memref_slice %arg2[%add3A_193, %dma_start3A_199, %dma_start3A_200] : memref<65536x2x128xf32, #tpu.memory_space<hbm>> -> memref<64x2x128xf32, #tpu.memory_space<hbm>>
        tpu.enqueue_dma source(%dma_start3A_201 : memref<64x2x128xf32, #tpu.memory_space<hbm>>) target(%arg8 : memref<64x2x128xf32, #tpu.memory_space<vmem>>) target_semaphore(%arg17 : memref<!tpu.dma_semaphore, #tpu.memory_space<semaphore_mem>>)
        %dma_start3A_202 = tpu.memref_slice %arg3[%mul3A_195] : memref<8388608xi32, #tpu.memory_space<hbm>> -> memref<8192xi32, #tpu.memory_space<hbm>>
        %dma_start3A_203 = tpu.memref_slice %arg3[%mul3A_195] : memref<8388608xi32, #tpu.memory_space<hbm>> -> memref<8192xi32, #tpu.memory_space<hbm>>
        tpu.enqueue_dma source(%dma_start3A_203 : memref<8192xi32, #tpu.memory_space<hbm>>) target(%arg12 : memref<8192xi32, #tpu.memory_space<vmem>>) target_semaphore(%arg21 : memref<!tpu.dma_semaphore, #tpu.memory_space<semaphore_mem>>)
      } else {
      }
      scf.yield %scan3A_180#0, %scan3A_180#1, %scan3A_180#2 : vector<16xi32>, vector<16xi32>, vector<16xi32>
    }
    %scan3A_59 = arith.constant 8 : i32
    %swap3A = arith.constant 0 : index
    %swap3A_60 = tpu.vector_load %arg13[%swap3A] {strides = array<i32>} : memref<48xi32, #tpu.memory_space<vmem>>, vector<16xi32>,
    tpu.vector_store %arg13[%swap3A], %scan3A_58#0 {strides = array<i32>} : memref<48xi32, #tpu.memory_space<vmem>>, vector<16xi32>,
    %swap3A_61 = arith.constant 16 : index
    %swap3A_62 = tpu.vector_load %arg13[%swap3A_61] {strides = array<i32>} : memref<48xi32, #tpu.memory_space<vmem>>, vector<16xi32>,
    tpu.vector_store %arg13[%swap3A_61], %scan3A_58#1 {strides = array<i32>} : memref<48xi32, #tpu.memory_space<vmem>>, vector<16xi32>,
    %swap3A_63 = arith.constant 32 : index
    %swap3A_64 = tpu.vector_load %arg13[%swap3A_63] {strides = array<i32>} : memref<48xi32, #tpu.memory_space<vmem>>, vector<16xi32>,
    tpu.vector_store %arg13[%swap3A_63], %scan3A_58#2 {strides = array<i32>} : memref<48xi32, #tpu.memory_space<vmem>>, vector<16xi32>,
    %mul3A_65 = arith.constant 3 : i32
    %mul3A_66 = arith.muli %add3A, %mul3A_65 : i32
    %mul3A_67 = arith.constant 16 : i32
    %mul3A_68 = arith.muli %mul3A_66, %mul3A_67 : i32
    "tpu.region"() ({
      %run_scoped3A = tpu.sem_alloc : memref<!tpu.dma_semaphore, #tpu.memory_space<semaphore_mem>>
      %dma_start3A_69 = tpu.memref_slice %arg4[%mul3A_68] : memref<1536xi32, #tpu.memory_space<hbm>> -> memref<48xi32, #tpu.memory_space<hbm>>
      %dma_start3A_70 = tpu.memref_slice %arg4[%mul3A_68] : memref<1536xi32, #tpu.memory_space<hbm>> -> memref<48xi32, #tpu.memory_space<hbm>>
      tpu.enqueue_dma source(%arg13 : memref<48xi32, #tpu.memory_space<vmem>>) target(%dma_start3A_70 : memref<48xi32, #tpu.memory_space<hbm>>) target_semaphore(%run_scoped3A : memref<!tpu.dma_semaphore, #tpu.memory_space<semaphore_mem>>)
      %dma_wait3A = tpu.memref_slice %arg4[%mul3A_68] : memref<1536xi32, #tpu.memory_space<hbm>> -> memref<48xi32, #tpu.memory_space<hbm>>
      %dma_wait3A_71 = tpu.memref_slice %arg4[%mul3A_68] : memref<1536xi32, #tpu.memory_space<hbm>> -> memref<48xi32, #tpu.memory_space<hbm>>
      tpu.wait_dma2 semaphore(%run_scoped3A : memref<!tpu.dma_semaphore, #tpu.memory_space<semaphore_mem>>) src(%arg13 : memref<48xi32, #tpu.memory_space<vmem>>) dst(%dma_wait3A_71 : memref<48xi32, #tpu.memory_space<hbm>>)
      tpu.yield
    }) : () -> ()
    return
  }
}

</mosaic_0001>

<sc_bundles>
// kernel: kernel.3.cloned.1.call-start
scs
__scs_entry_jumppad:
0x0: {  	(pc) =	sbr.rel $0x88, $3  }
0x1: {  	(tag) =	ssettag $0x0;
	lr =	simm.s32 $0x1  }
0x2: {  	[smem:$0x3F9F] =	sst lr;
	_ =	strace $0xD0000000  }
0x3: {  	_ = 	snop  }
0x4: {  	_ = 	snop  }
0x5: {  	_ = 	snop  }
0x6: {  	_ = 	snop  }
0x7: {  	_ = 	snop  }
__scs_overlays_trampoline_lowered:
0x8: {  	[smem:$0x3FAE] =	sst s0  }
0x9: {  	[smem:$0x3FAF] =	sst s1  }
0xa: {  	[smem:$0x3FB0] =	sst s2  }
0xb: {  	[smem:$0x3FB1] =	sst s3  }
0xc: {  	[smem:$0x3FB2] =	sst s4  }
0xd: {  	[smem:$0x3FB3] =	sst s5  }
0xe: {  	[smem:$0x3FB4] =	sst s6  }
0xf: {  	[smem:$0x3FB5] =	sst s7  }
0x10: {  	[smem:$0x3FB6] =	sst s8  }
0x11: {  	[smem:$0x3FB7] =	sst s9;
	s0 =	simm.s32 @!p0 $0x0  }
0x12: {  	s1 =	sld [smem:$0x3F9D];
	s0 =	simm.s32 @p0 $0x1  }
0x13: {  	[smem:$0x3FB8] =	sst s0;
	s0 =	simm.s32 @!p1 $0x0  }
0x14: {  	s2 =	sld [smem:$0x3F9C];
	s0 =	simm.s32 @p1 $0x1  }
0x15: {  	[smem:$0x3FB9] =	sst s0;
	s0 =	simm.s32 @!p2 $0x0  }
0x16: {  	s3 =	sld [smem:$0x3FDB];
	s0 =	simm.s32 @p2 $0x1  }
0x17: {  	s4 =	simm.s32 $0x1BF5;
	[smem:$0x3FBB] =	sst s0  }
0x18: {  	s0 =	sld [smem:$0x3F9E];
	_ =	swait.ge [sflag:s4], $0x0  }
0x19: {  	s7 =	sld [smem:$0x3F9F]  }
0x1a: {  	s8 =	sadd.s32 $0xFFFFE003, lr  }
0x1b: {  	s9 =	sadd.s32 $0xFFFFFEF7, lr;
	s5 =	simm.s32 $0xFFFFFFFF;
	p2 =	slt.u32 s8, $0xFFFFF086  }
0x1c: {  	p1 =	slt.u32 s9, $0xF7A;
	s5 =	simm.s32 @!p2 $0x0  }
0x1d: {  	s5 =	simm.s32 @p1 $0x1;
	p0 =	seq.s32 s7, s2  }
0x1e: {  	s7 =	smul.u32 @!p0 $0xF7A, s2;
	p2 =	seq.s32 @!p0 s5, $0x0  }
0x1f: {  	s9 =	smul.u32 $0xF7A, s1;
	s8 =	simm.s32 @!p0 $0x1BF5;
	p2 =	por !p2, p0  }
0x20: {  	[sflag:s8] =	ssyncset.s32 @!p0 $0xFFFFF086;
	s6 =	sadd.s32 @!p0 s3, s7;
	s7 =	simm.s32 @!p0 $0x108  }
0x21: {  	s3 =	sadd.s32 s3, s9;
	s6 =	sadd.s32 @!p0 $0x88, s6;
	s7 =	simm.s32 @p2 $0x1082  }
0x22: {  	[simem:s7], [sflag:s8] =	dma.local @!p0 [hbm:s6], $0xF7A  }
0x23: {  	s9 =	sor.u32 $0xD0000000, s2;
	s6 =	simm.s32 $0x108;
	_ =	swait.ge @!p0 [sflag:s8], $0x0  }
0x24: {  	s3 =	sadd.s32 $0x88, s3;
	s6 =	simm.s32 @!p1 $0x1082;
	[sflag:s4] =	ssyncset.s32 $0xFFFFF086  }
0x25: {  	[simem:s6], [sflag:s4] =	dma.local [hbm:s3], $0xF7A  }
0x26: {  	[smem:$0x3F9F] =	sst s1;
	(tag) =	ssettag s2;
	_ =	strace s9  }
0x27: {  	s1 =	sld [smem:$0x3FAF]  }
0x28: {  	s2 =	sld [smem:$0x3FB0]  }
0x29: {  	s4 =	sld [smem:$0x3FB2]  }
0x2a: {  	p0 =	seq.s32 s5, $0x0;
	s5 =	sld [smem:$0x3FB3]  }
0x2b: {  	s6 =	sld [smem:$0x3FB4]  }
0x2c: {  	s7 =	sld [smem:$0x3FB5]  }
0x2d: {  	s3 =	simm.s32 $0x108;
	s8 =	sld [smem:$0x3FB6]  }
0x2e: {  	s3 =	simm.s32 @!p0 $0x1082;
	s9 =	sld [smem:$0x3FB7]  }
0x2f: {  	lr =	sadd.s32 s0, s3;
	s0 =	sld [smem:$0x3FAE]  }
0x30: {  	s3 =	sld [smem:$0x3FB1]  }
0x31: {  	[smem:$0x3FBA] =	sst s10  }
0x32: {  	s10 =	sld [smem:$0x3FB8];
	_ =	sdelay $0x3  }
0x33: {  	p0 =	seq.s32 s10, $0x1;
	s10 =	sld [smem:$0x3FBA];
	_ =	sdelay $0x3  }
0x34: {  	[smem:$0x3FBA] =	sst s10  }
0x35: {  	s10 =	sld [smem:$0x3FB9];
	_ =	sdelay $0x3  }
0x36: {  	p1 =	seq.s32 s10, $0x1;
	s10 =	sld [smem:$0x3FBA];
	_ =	sdelay $0x3  }
0x37: {  	[smem:$0x3FBA] =	sst s10  }
0x38: {  	s10 =	sld [smem:$0x3FBB]  }
0x39: {  	_ = 	snop;
	(pc) =	sbr.ind lr, $3  }
0x3a: {  	_ = 	snop  }
0x3b: {  	_ = 	snop  }
0x3c: {  	p2 =	seq.s32 s10, $0x1;
	s10 =	sld [smem:$0x3FBA]  }
0x3d: {  	_ =	shalt  }
0x3e: {  	_ =	shalt  }
0x3f: {  	_ =	shalt  }
0x40: {  	_ =	shalt  }
0x41: {  	_ =	shalt  }
0x42: {  	_ =	shalt  }
0x43: {  	_ =	shalt  }
0x44: {  	_ =	shalt  }
0x45: {  	_ =	shalt  }
0x46: {  	_ =	shalt  }
0x47: {  	_ =	shalt  }
0x48: {  	_ =	shalt  }
0x49: {  	_ =	shalt  }
0x4a: {  	_ =	shalt  }
0x4b: {  	_ =	shalt  }
0x4c: {  	_ =	shalt  }
0x4d: {  	_ =	shalt  }
0x4e: {  	_ =	shalt  }
0x4f: {  	_ =	shalt  }
0x50: {  	_ =	shalt  }
0x51: {  	_ =	shalt  }
0x52: {  	_ =	shalt  }
0x53: {  	_ =	shalt  }
0x54: {  	_ =	shalt  }
0x55: {  	_ =	shalt  }
0x56: {  	_ =	shalt  }
0x57: {  	_ =	shalt  }
0x58: {  	_ =	shalt  }
0x59: {  	_ =	shalt  }
0x5a: {  	_ =	shalt  }
0x5b: {  	_ =	shalt  }
0x5c: {  	_ =	shalt  }
0x5d: {  	_ =	shalt  }
0x5e: {  	_ =	shalt  }
0x5f: {  	_ =	shalt  }
0x60: {  	_ =	shalt  }
0x61: {  	_ =	shalt  }
0x62: {  	_ =	shalt  }
0x63: {  	_ =	shalt  }
0x64: {  	_ =	shalt  }
0x65: {  	_ =	shalt  }
0x66: {  	_ =	shalt  }
0x67: {  	_ =	shalt  }
0x68: {  	_ =	shalt  }
0x69: {  	_ =	shalt  }
0x6a: {  	_ =	shalt  }
0x6b: {  	_ =	shalt  }
0x6c: {  	_ =	shalt  }
0x6d: {  	_ =	shalt  }
0x6e: {  	_ =	shalt  }
0x6f: {  	_ =	shalt  }
0x70: {  	_ =	shalt  }
0x71: {  	_ =	shalt  }
0x72: {  	_ =	shalt  }
0x73: {  	_ =	shalt  }
0x74: {  	_ =	shalt  }
0x75: {  	_ =	shalt  }
0x76: {  	_ =	shalt  }
0x77: {  	_ =	shalt  }
0x78: {  	_ =	shalt  }
0x79: {  	_ =	shalt  }
0x7a: {  	_ =	shalt  }
0x7b: {  	_ =	shalt  }
0x7c: {  	_ =	shalt  }
0x7d: {  	_ =	shalt  }
0x7e: {  	_ =	shalt  }
0x7f: {  	_ =	shalt  }
0x80: {  	_ =	shalt  }
0x81: {  	_ =	shalt  }
0x82: {  	_ =	shalt  }
0x83: {  	_ =	shalt  }
0x84: {  	_ =	shalt  }
0x85: {  	_ =	shalt  }
0x86: {  	_ =	shalt  }
0x87: {  	_ =	shalt  }
.Lfunc_end0:
.L_simem_size_0:
called_computation_lowered:
.L_overlay_start_0:
0x88: {  	s2 =	sld [smem:$0x3FD9]  }
0x89: {  	s3 =	sld [smem:$0x3FFE];
	_ =	sdelay $0x1  }
0x8a: {  	s1 =	srdreg.scid  }
0x8b: {  	s0 =	sand.u32 $0x1, s1  }
0x8c: {  	s17 =	sshll.u32 s0, $0xA;
	s2 =	sadd.s32 s3, s2  }
0x8d: {  	s2 =	sadd.s32 s2, s17  }
0x8e: {  	[smem:$0x3FC6] =	sst s2  }
0x8f: {  	_ = 	snop  }
0x90: {  	s2 =	sld [smem:$0x3FC9]  }
0x91: {  	s18 =	sld [smem:$0x3FC8];
	(tm) =	ssettm $0x1  }
0x92: {  	s4 =	sld [smem:$0x3FFB];
	_ =	sdelay $0x3  }
0x93: {  	_ =	strace s4  }
0x94: {  	s4 =	sld [smem:$0x3FFC];
	_ =	sdelay $0x3  }
0x95: {  	_ =	strace s4  }
0x96: {  	s4 =	sld [smem:$0x3FFD];
	_ =	sdelay $0x3  }
0x97: {  	_ =	strace s4  }
0x98: {  	_ =	strace $0x8FFFFFFF  }
0x99: {  	s19 =	sld [smem:$0x3FDB];
	_ =	sdelay $0x1  }
0x9a: {  	s5 =	simm.s32 $_scs_section_size  }
0x9b: {  	s6 =	simm.s32 $_size__tile_overlayer_lowered;
	s7 =	simm.s32 $_tile_overlayer_lowered  }
0x9c: {  	s22 =	simm.s32 $0x1BFF;
	s21 =	sshll.u32 s7, $0x1;
	s4 =	sadd.s32 s5, s19  }
0x9d: {  	s8 =	simm.s32 $0x0;
	s20 =	sshll.u32 s6, $0x1;
	s6 =	sadd.s32 s21, s4  }
0x9e: {  	[timem:s8], [sflag:s22] =	dma.local [hbm:s6], s20  }
0x9f: {  	_ =	swait.ge [sflag:s22], s20  }
0xa0: {  	s5 =	ssub.s32 $0x0, s20;
	[sflag:s22] =	ssyncset.done $0x0  }
0xa1: {  	[sflag:s22] =	ssyncadd.s32 s5;
	_ =	sdelay $0x1  }
0xa2: {  	s23 =	simm.s32 $0x1B8B  }
0xa3: {  	_ =	swait.ge [sflag:s23], $0x1  }
0xa4: {  	[sflag:s23] =	ssyncset.done $0x0  }
0xa5: {  	s25 =	simm.s32 $0x1B8E;
	s24 =	sld [smem:$0x3FFE];
	[sflag:s23] =	ssyncadd.s32 $0xFFFFFFFF  }
0xa6: {  	s26 =	simm.s32 $execute0_lowered;
	[smem:$0x3FD2] =	sst s25  }
0xa7: {  	s6 =	sshll.u32 s26, $0x1;
	_ =	strace $0x80000046;
	[dreg:$0x1] =	wrdreg $0xFFFFFFFF  }
0xa8: {  	s28 =	simm.s32 $_size_execute0_lowered;
	s4 =	sadd.s32 s4, s6;
	[dreg:$0x0] =	wrdreg $0x0  }
0xa9: {  	s6 =	sshll.u32 s28, $0x1;
	[dreg:$0x2] =	wrdreg s4  }
0xaa: {  	[dreg:$0x3] =	wrdreg s6  }
0xab: {  	[dreg:$0x4] =	wrdreg $0xC0  }
0xac: {  	_ =	task [dreg:s8], $0x5FFFF  }
0xad: {  	[dreg:$0x1] =	wrdreg $0xFFFFFFFF  }
0xae: {  	[dreg:$0x0] =	wrdreg $0x60  }
0xaf: {  	[dreg:$0x2] =	wrdreg s2  }
0xb0: {  	[dreg:$0x3] =	wrdreg s18  }
0xb1: {  	[dreg:$0x4] =	wrdreg s24  }
0xb2: {  	[dreg:$0x5] =	wrdreg $0x9  }
0xb3: {  	_ =	task.clear_ibuf [dreg:s8], $0x6FFFF;
	_ =	strace $0x90000046  }
0xb4: {  	s29 =	simm.s32 $0x9;
	_ =	strace $0x80000048  }
0xb5: {  	_ =	swait.ge [sflag:s29], $0x1  }
0xb6: {  	[sflag:s29] =	ssyncadd.s32 $0xFFFFFFFF  }
0xb7: {  	_ =	strace $0x90000048  }
0xb8: {  	_ =	sfence  }
0xb9: {  	s30 =	sld [smem:$0x0];
	_ =	sdelay $0x2  }
0xba: {  	s31 =	sshll.u32 s1, $0xD;
	s1 =	sshrl.u32 s1, $0x2  }
0xbb: {  	s3 =	sand.u32 $0x4000, s31;
	s1 =	sadd.s32 s1, s30  }
0xbc: {  	s0 =	sor.u32 s3, s0;
	s1 =	sshll.u32 s1, $0x11  }
0xbd: {  	s0 =	sor.u32 s1, s0  }
0xbe: {  	s0 =	sadd.s32 $0x8F2B, s0  }
0xbf: {  	[sflag:s0] =	ssyncadd.remote.s32 $0x1  }
0xc0: {  	_ =	sfence.sel $0xFFFF  }
0xc1: {  	[dreg:$0x0] =	wrdreg $0xFFFFFFFF;
	(pc) =	sbr.abs _section_cstart, $3  }
0xc2: {  	[dreg:$0x1] =	wrdreg $0xFFFFFFFF  }
0xc3: {  	_ =	task.clear_ibuf [dreg:s8], $0x2FFFF;
	_ =	strace $0x9FFFFFFF  }
0xc4: {  	(tm) =	ssettm $0x7FFFFFFF  }
0xc5: {  	_ =	shalt  }
tec
execute0_lowered:
.L_overlay_start_1:
0x0: {  	(tag) =	ssettag $0x1  }
0x1: {  	s1 =	rddreg [dreg:$0x0]  }
0x2: {  	s0 =	srdreg.scid;
	s3 =	rddreg [dreg:$0x1]  }
0x3: {  	s4 =	stileid.u32;
	s5 =	rddreg [dreg:$0x2]  }
0x4: {  	s28 =	simm.s32 $0x5;
	s29 =	simm.s32 $0x2;
	s0 =	sand.u32 $0x1, s0  }
0x5: {  	s30 =	simm.s32 $0x6;
	s31 =	simm.s32 $0x3;
	s2 =	sshll.u32 s0, $0x4  }
0x6: {  	s0 =	ssub.s32 $0x2, s0;
	s2 =	sor.u32 s4, s2;
	s4 =	simm.s32 $0x0  }
0x7: {  	s19 =	sshrl.u32 s0, $0x1;
	s6 =	smul.u32 $0x6, s2;
	[smem:$0x7FF] =	sst s4  }
0x8: {  	s0 =	ssub.s32 s0, s19;
	s20 =	sshll.u32 s2, $0xB;
	s7 =	sshll.u32 s2, $0x10  }
0x9: {  	s2 =	sshll.u32 s2, $0xF;
	s19 =	simm.s32 $0x8;
	_ =	strace $0x80000047  }
0xa: {  	s7 =	sadd.s32 s1, s7;
	s21 =	sor.u32 $0x40, s20;
	s2 =	sadd.s32 s3, s2  }
0xb: {  	s10 =	sor.u32 $0x80, s20;
	s25 =	sor.u32 $0xC0, s20;
	s13 =	sor.u32 $0x100, s20  }
0xc: {  	s14 =	sor.u32 $0x140, s20;
	s15 =	sor.u32 $0x180, s20;
	s16 =	sor.u32 $0x1C0, s20  }
0xd: {  	s18 =	smax.u32 s0, $0x1;
	s0 =	simm.s32 $0x4;
	[dreg:$0x4] =	wrdreg s7  }
0xe: {  	s5 =	sadd.s32 s6, s5;
	[dreg:$0x5] =	wrdreg s2;
	s22 =	sshll.u32 s21, $0x5  }
0xf: {  	s23 =	sshll.u32 s21, $0x4;
	s24 =	sshll.u32 s10, $0x5;
	s26 =	sshll.u32 s10, $0x4  }
0x10: {  	s11 =	sshll.u32 s25, $0x5;
	s21 =	simm.s32 $0x9;
	s2 =	sadd.s32 s1, s22  }
.Ltmp0:
0x11: {  	s9 =	sadd.s32 s1, s24;
	s10 =	sadd.s32 s3, s26;
	(pc) =	sbr.rel .LBB2_1-.Ltmp0, $4  }
0x12: {  	s11 =	sadd.s32 s1, s11;
	s17 =	sadd.s32 $0x400, s5;
	s24 =	simm.s32 $0xC000  }
0x13: {  	s26 =	simm.s32 $0x1;
	[dreg:$0x6] =	wrdreg s2;
	s2 =	sadd.s32 s3, s23  }
0x14: {  	s22 =	simm.s32 $0x0;
	[dreg:$0x7] =	wrdreg s2;
	s2 =	sshll.u32 s25, $0x4  }
0x15: {  	v0 =	vimm.s32 $0x0;
	s25 =	simm.s32 $0x16000;
	s12 =	sadd.s32 s3, s2;
	s2 =	simm.s32 $0x7  }
.LBB2_12:
0x16: {  	[tilespmem:$0x18000] =	vst v17;
	s22 =	sadd.s32 $0x1, s22  }
0x17: {  	[tilespmem:$0x18010] =	vst v15;
	p0 =	sne.s32 s22, s18  }
.Ltmp1:
0x18: {  	[tilespmem:$0x18020] =	vst v13;
	s5 =	simm.s32 $0x18000;
	(pc) =	sbr.rel @!p0 .LBB2_13-.Ltmp1, $4  }
0x19: {  	[hbm4b:s17+s4] =	stream.linear.scatter [tilespmem:s5], [sflag:$0x9], $0x30, $0x38;
	[tilespmem:$0x18080] =	vst v63  }
0x1a: {  	_ =	swait.ge [sflag:s21], $0x30  }
0x1b: {  	[sflag:s21] =	ssyncset.done $0x0  }
0x1c: {  	[sflag:s21] =	ssyncadd.s32 $0xFFFFFFD0  }
.LBB2_1:
0x1d: {  	s5 =	rddreg [dreg:$0x4]  }
0x1e: {  	[tilespmem:s4], [sflag:$0x1] =	stream.linear.gather [hbm4b:s5+s4], $0x4000, $0x38;
	[tilespmem:$0x18080] =	vst v63  }
0x1f: {  	s8 =	rddreg [dreg:$0x5];
	s6 =	simm.s32 $0x10000  }
0x20: {  	[tilespmem:s6], [sflag:$0x5] =	stream.linear.gather [hbm4b:s8+s4], $0x2000, $0x38;
	[tilespmem:$0x18080] =	vst v63  }
0x21: {  	s20 =	rddreg [dreg:$0x6];
	s23 =	simm.s32 $0x4000  }
0x22: {  	[tilespmem:s23], [sflag:$0x2] =	stream.linear.gather [hbm4b:s20+s4], $0x4000, $0x38;
	[tilespmem:$0x18080] =	vst v63  }
0x23: {  	s7 =	rddreg [dreg:$0x7];
	s8 =	simm.s32 $0x12000  }
0x24: {  	[tilespmem:s8], [sflag:$0x6] =	stream.linear.gather [hbm4b:s7+s4], $0x2000, $0x38;
	[tilespmem:$0x18080] =	vst v63  }
0x25: {  	s20 =	simm.s32 $0x8000  }
0x26: {  	[tilespmem:s20], [sflag:$0x3] =	stream.linear.gather [hbm4b:s9+s4], $0x4000, $0x38;
	[tilespmem:$0x18080] =	vst v63  }
0x27: {  	s23 =	simm.s32 $0x14000  }
0x28: {  	[tilespmem:s23], [sflag:$0x7] =	stream.linear.gather [hbm4b:s10+s4], $0x2000, $0x38;
	[tilespmem:$0x18080] =	vst v63  }
0x29: {  	_ = 	snop  }
0x2a: {  	[tilespmem:s24], [sflag:$0x4] =	stream.linear.gather [hbm4b:s11+s4], $0x4000, $0x38;
	[tilespmem:$0x18080] =	vst v63  }
0x2b: {  	s23 =	simm.s32 $0x0  }
0x2c: {  	v13 =	vimm.s32 $0x0;
	v15 =	vimm.s32 $0x0;
	v17 =	vimm.s32 $0x0;
	[tilespmem:s25], [sflag:$0x8] =	stream.linear.gather [hbm4b:s12+s4], $0x2000, $0x38;
	[tilespmem:$0x18080] =	vst v63  }
.LBB2_2:
0x2d: {  	_ =	swait.ge [sflag:s26], $0x4000  }
0x2e: {  	[sflag:s26] =	ssyncset.done $0x0  }
0x2f: {  	[sflag:s26] =	ssyncadd.s32 $0xFFFFC000  }
0x30: {  	_ =	swait.ge [sflag:s28], $0x2000  }
0x31: {  	[sflag:s28] =	ssyncset.done $0x0  }
0x32: {  	s6 =	simm.s32 $0x10080;
	[sflag:s28] =	ssyncadd.s32 $0xFFFFE000  }
0x33: {  	v2 =	vld [tilespmem:s6+$0x70]  }
0x34: {  	s5 =	simm.s32 $0x100;
	v4 =	vld [tilespmem:s6+$0x60]  }
0x35: {  	v1 =	vld [tilespmem:s5+$0x70]  }
0x36: {  	v3 =	vld [tilespmem:s5+$0xF0]  }
0x37: {  	v6 =	vld [tilespmem:s6+$0x50]  }
0x38: {  	v5 =	vld [tilespmem:s5+$0x60]  }
0x39: {  	v7 =	vld [tilespmem:s5+$0xE0]  }
0x3a: {  	v8 =	vld [tilespmem:s6+$0x40]  }
0x3b: {  	v9 =	vld [tilespmem:s5+$0x50]  }
0x3c: {  	v11 =	vld [tilespmem:s5+$0xD0]  }
0x3d: {  	v10 =	vld [tilespmem:s6+$0x30]  }
0x3e: {  	v14 =	vld [tilespmem:s5+$0x40]  }
0x3f: {  	v16 =	vld [tilespmem:s5+$0xC0]  }
0x40: {  	v12 =	vld [tilespmem:s6+$0x20]  }
0x41: {  	v19 =	vld [tilespmem:s5+$0x30]  }
0x42: {  	v20 =	vld [tilespmem:s5+$0xB0]  }
0x43: {  	v21 =	vld [tilespmem:s5+$0x20]  }
0x44: {  	v22 =	vld [tilespmem:s5+$0xA0]  }
0x45: {  	v23 =	vld [tilespmem:s5+$0x10]  }
0x46: {  	v24 =	vld [tilespmem:s5+$0x90]  }
0x47: {  	v25 =	vld [tilespmem:s5+$0x0]  }
0x48: {  	v26 =	vld [tilespmem:s5+$0x80]  }
0x49: {  	v27 =	vld [tilespmem:s5+$0xFFFFFF70]  }
0x4a: {  	v28 =	vld [tilespmem:s5+$0xFFFFFFF0]  }
0x4b: {  	v29 =	vld [tilespmem:s5+$0xFFFFFF60]  }
0x4c: {  	v30 =	vld [tilespmem:s5+$0xFFFFFFE0]  }
0x4d: {  	v31 =	vld [tilespmem:s5+$0xFFFFFF50]  }
0x4e: {  	v32 =	vld [tilespmem:s5+$0xFFFFFFD0]  }
0x4f: {  	v33 =	vld [tilespmem:s5+$0xFFFFFF40]  }
0x50: {  	v34 =	vld [tilespmem:s5+$0xFFFFFFC0]  }
0x51: {  	v35 =	vld [tilespmem:s5+$0xFFFFFF30]  }
0x52: {  	v36 =	vld [tilespmem:s5+$0xFFFFFFB0]  }
0x53: {  	v37 =	vld [tilespmem:s5+$0xFFFFFF20]  }
0x54: {  	v38 =	vld [tilespmem:s5+$0xFFFFFFA0]  }
0x55: {  	v39 =	vld [tilespmem:s5+$0xFFFFFF10]  }
0x56: {  	v40 =	vld [tilespmem:s5+$0xFFFFFF90]  }
0x57: {  	v41 =	vld [tilespmem:s5+$0xFFFFFF00]  }
0x58: {  	v42 =	vld [tilespmem:s5+$0xFFFFFF80];
	vm10 =	vgt.f32 v11, v9;
	vm11 =	vgt.f32 v7, v5;
	vm12 =	vgt.f32 v3, v1  }
0x59: {  	v18 =	vld [tilespmem:s6+$0x10];
	vm8 =	vgt.f32 v22, v21;
	vm13 =	vgt.f32 v20, v19;
	vm14 =	vgt.f32 v16, v14  }
0x5a: {  	vm0 =	vgt.f32 v28, v27;
	v22 =	vld [tilespmem:s6+$0x0];
	vm9 =	vgt.f32 v26, v25;
	vm15 =	vgt.f32 v24, v23  }
0x5b: {  	vm1 =	vgt.f32 v34, v33;
	vm2 =	vgt.f32 v32, v31;
	vm3 =	vgt.f32 v30, v29;
	v26 =	vld [tilespmem:s6+$0xFFFFFFF0]  }
0x5c: {  	vm5 =	vgt.f32 v40, v39;
	vm4 =	vgt.f32 v38, v37;
	vm6 =	vgt.f32 v36, v35;
	v30 =	vld [tilespmem:s6+$0xFFFFFFE0]  }
0x5d: {  	vm7 =	vgt.f32 v42, v41;
	v34 =	vld [tilespmem:s6+$0xFFFFFFD0];
	v16 =	vsel vm12, $0x1, v0;
	v14 =	vnsel vm12, $0x0, v2  }
0x5e: {  	v35 =	vld [tilespmem:s6+$0xFFFFFFC0];
	v21 =	vsel vm10, $0x1, v0;
	v20 =	vsel vm11, $0x1, v0;
	v19 =	vnsel vm11, $0x0, v4  }
0x5f: {  	v39 =	vld [tilespmem:s6+$0xFFFFFFB0];
	v25 =	vsel vm14, $0x1, v0;
	v24 =	vnsel vm14, $0x0, v8;
	v23 =	vnsel vm10, $0x0, v6  }
0x60: {  	v40 =	vld [tilespmem:s6+$0xFFFFFFA0];
	v29 =	vsel vm8, $0x1, v0;
	v28 =	vsel vm13, $0x1, v0;
	v27 =	vnsel vm13, $0x0, v10  }
0x61: {  	v41 =	vld [tilespmem:s6+$0xFFFFFF90];
	v33 =	vsel vm15, $0x1, v0;
	v32 =	vnsel vm15, $0x0, v18;
	v31 =	vnsel vm8, $0x0, v12  }
0x62: {  	s20 =	simm.s32 $0x0;
	v42 =	vld [tilespmem:s6+$0xFFFFFF80];
	s6 =	simm.s32 $0x10180;
	v38 =	vsel vm0, $0x1, v0;
	v37 =	vsel vm9, $0x1, v0;
	v36 =	vnsel vm9, $0x0, v22  }
.LBB2_3:
0x63: {  	v5 =	vld [tilespmem:s6+$0x70];
	v7 =	vsel vm3, $0x1, v0;
	v9 =	vnsel vm3, $0x0, v30;
	v11 =	vnsel vm0, $0x0, v26  }
0x64: {  	v44 =	vsel vm1, $0x1, v0;
	v45 =	vsel vm2, $0x1, v0;
	v46 =	vnsel vm2, $0x0, v34;
	s5 =	sadd.s32 $0x200, s5;
	v43 =	vld [tilespmem:s6+$0x60]  }
0x65: {  	v47 =	vsel vm6, $0x1, v0;
	v49 =	vnsel vm1, $0x0, v35;
	v48 =	vnsel vm6, $0x0, v39;
	v1 =	vld [tilespmem:s5+$0x70]  }
0x66: {  	v50 =	vsel vm5, $0x1, v0;
	v51 =	vsel vm4, $0x1, v0;
	v52 =	vnsel vm4, $0x0, v40;
	v3 =	vld [tilespmem:s5+$0xF0]  }
0x67: {  	v54 =	vsel vm7, $0x1, v0;
	v56 =	vnsel vm5, $0x0, v41;
	v53 =	vld [tilespmem:s6+$0x50];
	v55 =	vnsel vm7, $0x0, v42  }
0x68: {  	v17 =	vadd.s32 v54, v17;
	v15 =	vadd.s32 v15, v42;
	v57 =	vld [tilespmem:s5+$0x60];
	v13 =	vadd.s32 v13, v55  }
0x69: {  	v17 =	vadd.s32 v50, v17;
	v15 =	vadd.s32 v41, v15;
	v42 =	vld [tilespmem:s5+$0xE0];
	v13 =	vadd.s32 v56, v13  }
0x6a: {  	v17 =	vadd.s32 v51, v17;
	v15 =	vadd.s32 v40, v15;
	v41 =	vld [tilespmem:s6+$0x40];
	v13 =	vadd.s32 v52, v13  }
0x6b: {  	v17 =	vadd.s32 v47, v17;
	v15 =	vadd.s32 v39, v15;
	v40 =	vld [tilespmem:s5+$0x50];
	v13 =	vadd.s32 v48, v13  }
0x6c: {  	v17 =	vadd.s32 v44, v17;
	v15 =	vadd.s32 v35, v15;
	v39 =	vld [tilespmem:s5+$0xD0];
	v13 =	vadd.s32 v49, v13  }
0x6d: {  	v17 =	vadd.s32 v45, v17;
	v15 =	vadd.s32 v34, v15;
	v35 =	vld [tilespmem:s6+$0x30];
	v13 =	vadd.s32 v46, v13  }
0x6e: {  	v7 =	vadd.s32 v7, v17;
	v15 =	vadd.s32 v30, v15;
	v34 =	vld [tilespmem:s5+$0x40];
	v9 =	vadd.s32 v9, v13  }
0x6f: {  	v7 =	vadd.s32 v38, v7;
	v13 =	vadd.s32 v26, v15;
	v30 =	vld [tilespmem:s5+$0xC0];
	v9 =	vadd.s32 v11, v9  }
0x70: {  	v7 =	vadd.s32 v37, v7;
	v13 =	vadd.s32 v22, v13;
	v11 =	vld [tilespmem:s6+$0x20];
	v9 =	vadd.s32 v36, v9  }
0x71: {  	v7 =	vadd.s32 v33, v7;
	v13 =	vadd.s32 v18, v13;
	v22 =	vld [tilespmem:s5+$0x30];
	v9 =	vadd.s32 v32, v9  }
0x72: {  	v7 =	vadd.s32 v29, v7;
	v12 =	vadd.s32 v12, v13;
	v26 =	vld [tilespmem:s5+$0xB0];
	v9 =	vadd.s32 v31, v9  }
0x73: {  	v7 =	vadd.s32 v28, v7;
	v12 =	vadd.s32 v10, v12;
	v10 =	vmovc v35;
	v29 =	vld [tilespmem:s5+$0x20];
	v9 =	vadd.s32 v27, v9  }
0x74: {  	v7 =	vadd.s32 v25, v7;
	v12 =	vadd.s32 v8, v12;
	v8 =	vmovc v41;
	v27 =	vld [tilespmem:s5+$0xA0];
	v9 =	vadd.s32 v24, v9  }
0x75: {  	v7 =	vadd.s32 v21, v7;
	v12 =	vadd.s32 v6, v12;
	v6 =	vmovc v53;
	v24 =	vld [tilespmem:s5+$0x10];
	v9 =	vadd.s32 v23, v9  }
0x76: {  	v7 =	vadd.s32 v20, v7;
	v18 =	vadd.s32 v4, v12;
	v4 =	vmovc v43;
	v21 =	vld [tilespmem:s5+$0x90];
	v9 =	vadd.s32 v19, v9  }
0x77: {  	v17 =	vadd.s32 v16, v7;
	v15 =	vadd.s32 v2, v18;
	v2 =	vmovc v5;
	v19 =	vld [tilespmem:s5+$0x0];
	v13 =	vadd.s32 v14, v9  }
0x78: {  	v12 =	vmov v11;
	v5 =	vld [tilespmem:s5+$0x80]  }
0x79: {  	v7 =	vld [tilespmem:s5+$0xFFFFFF70]  }
0x7a: {  	v9 =	vld [tilespmem:s5+$0xFFFFFFF0]  }
0x7b: {  	v11 =	vld [tilespmem:s5+$0xFFFFFF60]  }
0x7c: {  	v14 =	vld [tilespmem:s5+$0xFFFFFFE0]  }
0x7d: {  	v16 =	vld [tilespmem:s5+$0xFFFFFF50]  }
0x7e: {  	v20 =	vld [tilespmem:s5+$0xFFFFFFD0]  }
0x7f: {  	v23 =	vld [tilespmem:s5+$0xFFFFFF40]  }
0x80: {  	v25 =	vld [tilespmem:s5+$0xFFFFFFC0]  }
0x81: {  	v28 =	vld [tilespmem:s5+$0xFFFFFF30]  }
0x82: {  	v31 =	vld [tilespmem:s5+$0xFFFFFFB0]  }
0x83: {  	v32 =	vld [tilespmem:s5+$0xFFFFFF20]  }
0x84: {  	v33 =	vld [tilespmem:s5+$0xFFFFFFA0]  }
0x85: {  	v35 =	vld [tilespmem:s5+$0xFFFFFF10]  }
0x86: {  	v36 =	vld [tilespmem:s5+$0xFFFFFF90]  }
0x87: {  	v37 =	vld [tilespmem:s5+$0xFFFFFF00]  }
0x88: {  	vm14 =	vgt.f32 v3, v1;
	vm13 =	vgt.f32 v42, v57;
	vm10 =	vgt.f32 v39, v40;
	v38 =	vld [tilespmem:s5+$0xFFFFFF80]  }
0x89: {  	vm15 =	vgt.f32 v30, v34;
	vm11 =	vgt.f32 v26, v22;
	vm9 =	vgt.f32 v27, v29;
	v18 =	vld [tilespmem:s6+$0x10]  }
0x8a: {  	vm12 =	vgt.f32 v21, v24;
	vm8 =	vgt.f32 v5, v19;
	vm0 =	vgt.f32 v9, v7;
	v22 =	vld [tilespmem:s6+$0x0]  }
0x8b: {  	vm3 =	vgt.f32 v14, v11;
	vm2 =	vgt.f32 v20, v16;
	vm1 =	vgt.f32 v25, v23;
	v26 =	vld [tilespmem:s6+$0xFFFFFFF0]  }
0x8c: {  	s20 =	sadd.s32 $0x2, s20;
	vm6 =	vgt.f32 v31, v28;
	vm4 =	vgt.f32 v33, v32;
	vm5 =	vgt.f32 v36, v35;
	v30 =	vld [tilespmem:s6+$0xFFFFFFE0]  }
0x8d: {  	p0 =	slt.u32 s20, $0x3E;
	v14 =	vnsel vm14, $0x0, v2;
	v16 =	vsel vm14, $0x1, v0;
	vm7 =	vgt.f32 v38, v37;
	v34 =	vld [tilespmem:s6+$0xFFFFFFD0]  }
.Ltmp2:
0x8e: {  	v21 =	vsel vm10, $0x1, v0;
	v19 =	vnsel vm13, $0x0, v4;
	v20 =	vsel vm13, $0x1, v0;
	v35 =	vld [tilespmem:s6+$0xFFFFFFC0];
	(pc) =	sbr.rel @p0 .LBB2_3-.Ltmp2, $4  }
0x8f: {  	v24 =	vnsel vm15, $0x0, v8;
	v25 =	vsel vm15, $0x1, v0;
	v23 =	vnsel vm10, $0x0, v6;
	v39 =	vld [tilespmem:s6+$0xFFFFFFB0]  }
0x90: {  	v27 =	vnsel vm11, $0x0, v10;
	v29 =	vsel vm9, $0x1, v0;
	v28 =	vsel vm11, $0x1, v0;
	v40 =	vld [tilespmem:s6+$0xFFFFFFA0]  }
0x91: {  	v31 =	vnsel vm9, $0x0, v12;
	v33 =	vsel vm12, $0x1, v0;
	v32 =	vnsel vm12, $0x0, v18;
	v41 =	vld [tilespmem:s6+$0xFFFFFF90]  }
0x92: {  	v38 =	vsel vm0, $0x1, v0;
	v37 =	vsel vm8, $0x1, v0;
	v36 =	vnsel vm8, $0x0, v22;
	v42 =	vld [tilespmem:s6+$0xFFFFFF80];
	s6 =	sadd.s32 $0x100, s6  }
0x93: {  	s20 =	sshll.u32 s23, $0x8;
	p0 =	seq.s32 s23, $0x7  }
0x94: {  	s5 =	sadd.s32 @!p0 s20, s13  }
0x95: {  	s6 =	sshll.u32 @!p0 s5, $0x5  }
0x96: {  	s5 =	sshll.u32 @!p0 s5, $0x4;
	s6 =	sand.u32 @!p0 $0x1FFFE000, s6  }
0x97: {  	s7 =	simm.s32 @!p0 $0x0;
	s5 =	sand.u32 @!p0 $0x1FFFF000, s5;
	s6 =	sadd.s32 @!p0 s1, s6  }
0x98: {  	[tilespmem:s7], [sflag:$0x1] =	stream.linear.gather @!p0 [hbm4b:s6+s7], $0x4000, $0x38;
	[tilespmem:$0x18080] =	vst v63  }
0x99: {  	s5 =	sadd.s32 @!p0 s3, s5;
	s6 =	simm.s32 @!p0 $0x10000  }
0x9a: {  	[tilespmem:s6], [sflag:$0x5] =	stream.linear.gather @!p0 [hbm4b:s5+s7], $0x2000, $0x38;
	[tilespmem:$0x18080] =	vst v63  }
0x9b: {  	_ =	swait.ge [sflag:s29], $0x4000  }
0x9c: {  	[sflag:s29] =	ssyncset.done $0x0  }
0x9d: {  	[sflag:s29] =	ssyncadd.s32 $0xFFFFC000  }
0x9e: {  	_ =	swait.ge [sflag:s30], $0x2000  }
0x9f: {  	[sflag:s30] =	ssyncset.done $0x0  }
0xa0: {  	s8 =	simm.s32 $0x12080;
	[sflag:s30] =	ssyncadd.s32 $0xFFFFE000  }
0xa1: {  	v1 =	vld [tilespmem:s8+$0x70]  }
0xa2: {  	s5 =	simm.s32 $0x4100;
	v3 =	vld [tilespmem:s8+$0x60]  }
0xa3: {  	v43 =	vld [tilespmem:s5+$0x70]  }
0xa4: {  	v44 =	vld [tilespmem:s5+$0xF0]  }
0xa5: {  	v5 =	vld [tilespmem:s8+$0x50]  }
0xa6: {  	v45 =	vld [tilespmem:s5+$0x60]  }
0xa7: {  	v46 =	vld [tilespmem:s5+$0xE0]  }
0xa8: {  	v7 =	vld [tilespmem:s8+$0x40]  }
0xa9: {  	v47 =	vld [tilespmem:s5+$0x50]  }
0xaa: {  	v48 =	vld [tilespmem:s5+$0xD0]  }
0xab: {  	v9 =	vld [tilespmem:s8+$0x30]  }
0xac: {  	v49 =	vld [tilespmem:s5+$0x40]  }
0xad: {  	v50 =	vld [tilespmem:s5+$0xC0]  }
0xae: {  	v11 =	vld [tilespmem:s8+$0x20]  }
0xaf: {  	v51 =	vld [tilespmem:s5+$0x30]  }
0xb0: {  	v52 =	vsel vm7, $0x1, v0;
	v53 =	vld [tilespmem:s5+$0xB0]  }
0xb1: {  	v55 =	vsel vm5, $0x1, v0;
	v17 =	vadd.s32 v52, v17;
	v52 =	vld [tilespmem:s5+$0x20]  }
0xb2: {  	v61 =	vsel vm4, $0x1, v0;
	v54 =	vnsel vm7, $0x0, v42;
	v15 =	vadd.s32 v15, v42;
	v42 =	vld [tilespmem:s5+$0xA0]  }
0xb3: {  	v62 =	vsel vm6, $0x1, v0;
	v60 =	vsel vm1, $0x1, v0;
	v17 =	vadd.s32 v55, v17;
	v55 =	vld [tilespmem:s5+$0x10]  }
0xb4: {  	v58 =	vnsel vm1, $0x0, v35;
	v56 =	vnsel vm5, $0x0, v41;
	v15 =	vadd.s32 v41, v15;
	v41 =	vld [tilespmem:s5+$0x90]  }
0xb5: {  	v63 =	vnsel vm4, $0x0, v40;
	v17 =	vadd.s32 v61, v17;
	v15 =	vadd.s32 v40, v15;
	v40 =	vld [tilespmem:s5+$0x0]  }
0xb6: {  	v57 =	vnsel vm6, $0x0, v39;
	v17 =	vadd.s32 v62, v17;
	v13 =	vadd.s32 v13, v54;
	v54 =	vld [tilespmem:s5+$0x80]  }
0xb7: {  	v61 =	vsel vm2, $0x1, v0;
	v17 =	vadd.s32 v60, v17;
	v15 =	vadd.s32 v39, v15;
	v39 =	vld [tilespmem:s5+$0xFFFFFF70]  }
0xb8: {  	v62 =	vsel vm3, $0x1, v0;
	v13 =	vadd.s32 v56, v13;
	v17 =	vadd.s32 v61, v17;
	v56 =	vld [tilespmem:s5+$0xFFFFFFF0]  }
0xb9: {  	v61 =	vnsel vm3, $0x0, v30;
	v13 =	vadd.s32 v63, v13;
	v15 =	vadd.s32 v35, v15;
	v35 =	vld [tilespmem:s5+$0xFFFFFF60]  }
0xba: {  	v63 =	vnsel vm2, $0x0, v34;
	v17 =	vadd.s32 v62, v17;
	v13 =	vadd.s32 v57, v13;
	v60 =	vld [tilespmem:s5+$0xFFFFFFE0]  }
0xbb: {  	v17 =	vadd.s32 v38, v17;
	v13 =	vadd.s32 v58, v13;
	v15 =	vadd.s32 v34, v15;
	v62 =	vld [tilespmem:s5+$0xFFFFFF50]  }
0xbc: {  	v17 =	vadd.s32 v37, v17;
	v13 =	vadd.s32 v63, v13;
	v15 =	vadd.s32 v30, v15;
	v63 =	vld [tilespmem:s5+$0xFFFFFFD0]  }
0xbd: {  	v30 =	vnsel vm0, $0x0, v26;
	v13 =	vadd.s32 v61, v13;
	v15 =	vadd.s32 v26, v15;
	v26 =	vld [tilespmem:s5+$0xFFFFFF40]  }
0xbe: {  	v17 =	vadd.s32 v33, v17;
	v13 =	vadd.s32 v30, v13;
	v15 =	vadd.s32 v22, v15;
	v22 =	vld [tilespmem:s5+$0xFFFFFFC0]  }
0xbf: {  	v17 =	vadd.s32 v29, v17;
	v13 =	vadd.s32 v36, v13;
	v15 =	vadd.s32 v18, v15;
	v18 =	vld [tilespmem:s5+$0xFFFFFF30]  }
0xc0: {  	v13 =	vadd.s32 v32, v13;
	v12 =	vadd.s32 v12, v15;
	v29 =	vld [tilespmem:s5+$0xFFFFFFB0];
	v15 =	vadd.s32 v28, v17  }
0xc1: {  	v30 =	vld [tilespmem:s8+$0xFFFFFFE0];
	v13 =	vadd.s32 v31, v13;
	v10 =	vadd.s32 v10, v12;
	v15 =	vadd.s32 v25, v15  }
0xc2: {  	v34 =	vld [tilespmem:s8+$0xFFFFFFD0];
	v12 =	vadd.s32 v27, v13;
	v8 =	vadd.s32 v8, v10;
	v15 =	vadd.s32 v21, v15  }
0xc3: {  	v13 =	vld [tilespmem:s5+$0xFFFFFF20];
	v10 =	vadd.s32 v24, v12;
	v6 =	vadd.s32 v6, v8;
	v15 =	vadd.s32 v20, v15  }
0xc4: {  	v12 =	vld [tilespmem:s5+$0xFFFFFFA0];
	v8 =	vadd.s32 v23, v10;
	v4 =	vadd.s32 v4, v6;
	v27 =	vadd.s32 v16, v15  }
0xc5: {  	v10 =	vld [tilespmem:s5+$0xFFFFFF10];
	v6 =	vadd.s32 v19, v8;
	v24 =	vadd.s32 v2, v4;
	vm10 =	vgt.f32 v48, v47  }
0xc6: {  	v15 =	vld [tilespmem:s8+$0x10];
	vm11 =	vgt.f32 v46, v45;
	vm12 =	vgt.f32 v44, v43;
	vm8 =	vgt.f32 v42, v52  }
0xc7: {  	v23 =	vld [tilespmem:s8+$0xFFFFFFF0];
	vm13 =	vgt.f32 v53, v51;
	vm14 =	vgt.f32 v50, v49;
	vm0 =	vgt.f32 v56, v39  }
0xc8: {  	v8 =	vld [tilespmem:s5+$0xFFFFFF90];
	vm9 =	vgt.f32 v54, v40;
	vm15 =	vgt.f32 v41, v55;
	vm1 =	vgt.f32 v22, v26  }
0xc9: {  	v2 =	vld [tilespmem:s5+$0xFFFFFF00];
	vm2 =	vgt.f32 v63, v62;
	vm3 =	vgt.f32 v60, v35;
	vm6 =	vgt.f32 v29, v18  }
0xca: {  	v4 =	vld [tilespmem:s5+$0xFFFFFF80];
	v25 =	vadd.s32 v14, v6;
	v14 =	vsel vm12, $0x1, v0;
	v18 =	vsel vm10, $0x1, v0  }
0xcb: {  	v19 =	vld [tilespmem:s8+$0x0];
	v17 =	vsel vm11, $0x1, v0;
	v16 =	vnsel vm11, $0x0, v3;
	v22 =	vsel vm14, $0x1, v0  }
0xcc: {  	v35 =	vld [tilespmem:s8+$0xFFFFFFC0];
	v21 =	vnsel vm14, $0x0, v7;
	v20 =	vnsel vm10, $0x0, v5;
	v29 =	vsel vm8, $0x1, v0  }
0xcd: {  	v39 =	vld [tilespmem:s8+$0xFFFFFFB0];
	v28 =	vsel vm13, $0x1, v0;
	v26 =	vnsel vm13, $0x0, v9;
	v33 =	vsel vm15, $0x1, v0  }
0xce: {  	v40 =	vld [tilespmem:s8+$0xFFFFFFA0];
	v31 =	vnsel vm8, $0x0, v11;
	v38 =	vsel vm0, $0x1, v0;
	v37 =	vsel vm9, $0x1, v0  }
0xcf: {  	v41 =	vld [tilespmem:s8+$0xFFFFFF90];
	vm4 =	vgt.f32 v12, v13;
	v13 =	vnsel vm12, $0x0, v1;
	v32 =	vnsel vm15, $0x0, v15  }
0xd0: {  	s6 =	simm.s32 $0x0;
	s7 =	simm.s32 $0x12180;
	v42 =	vld [tilespmem:s8+$0xFFFFFF80];
	vm5 =	vgt.f32 v8, v10;
	vm7 =	vgt.f32 v4, v2;
	v36 =	vnsel vm9, $0x0, v19  }
.LBB2_5:
0xd1: {  	v6 =	vld [tilespmem:s7+$0x70];
	v8 =	vsel vm3, $0x1, v0;
	v10 =	vnsel vm3, $0x0, v30;
	v12 =	vnsel vm0, $0x0, v23  }
0xd2: {  	v44 =	vsel vm1, $0x1, v0;
	v45 =	vsel vm2, $0x1, v0;
	v46 =	vnsel vm2, $0x0, v34;
	s5 =	sadd.s32 $0x200, s5;
	v43 =	vld [tilespmem:s7+$0x60]  }
0xd3: {  	v47 =	vsel vm6, $0x1, v0;
	v49 =	vnsel vm1, $0x0, v35;
	v48 =	vnsel vm6, $0x0, v39;
	v2 =	vld [tilespmem:s5+$0x70]  }
0xd4: {  	v50 =	vsel vm5, $0x1, v0;
	v51 =	vsel vm4, $0x1, v0;
	v52 =	vnsel vm4, $0x0, v40;
	v4 =	vld [tilespmem:s5+$0xF0]  }
0xd5: {  	v54 =	vsel vm7, $0x1, v0;
	v56 =	vnsel vm5, $0x0, v41;
	v53 =	vld [tilespmem:s7+$0x50];
	v55 =	vnsel vm7, $0x0, v42  }
0xd6: {  	v27 =	vadd.s32 v54, v27;
	v24 =	vadd.s32 v24, v42;
	v57 =	vld [tilespmem:s5+$0x60];
	v25 =	vadd.s32 v25, v55  }
0xd7: {  	v27 =	vadd.s32 v50, v27;
	v24 =	vadd.s32 v41, v24;
	v42 =	vld [tilespmem:s5+$0xE0];
	v25 =	vadd.s32 v56, v25  }
0xd8: {  	v27 =	vadd.s32 v51, v27;
	v24 =	vadd.s32 v40, v24;
	v41 =	vld [tilespmem:s7+$0x40];
	v25 =	vadd.s32 v52, v25  }
0xd9: {  	v27 =	vadd.s32 v47, v27;
	v24 =	vadd.s32 v39, v24;
	v40 =	vld [tilespmem:s5+$0x50];
	v25 =	vadd.s32 v48, v25  }
0xda: {  	v27 =	vadd.s32 v44, v27;
	v24 =	vadd.s32 v35, v24;
	v39 =	vld [tilespmem:s5+$0xD0];
	v25 =	vadd.s32 v49, v25  }
0xdb: {  	v27 =	vadd.s32 v45, v27;
	v24 =	vadd.s32 v34, v24;
	v35 =	vld [tilespmem:s7+$0x30];
	v25 =	vadd.s32 v46, v25  }
0xdc: {  	v8 =	vadd.s32 v8, v27;
	v24 =	vadd.s32 v30, v24;
	v34 =	vld [tilespmem:s5+$0x40];
	v10 =	vadd.s32 v10, v25  }
0xdd: {  	v8 =	vadd.s32 v38, v8;
	v23 =	vadd.s32 v23, v24;
	v30 =	vld [tilespmem:s5+$0xC0];
	v10 =	vadd.s32 v12, v10  }
0xde: {  	v8 =	vadd.s32 v37, v8;
	v19 =	vadd.s32 v19, v23;
	v12 =	vld [tilespmem:s7+$0x20];
	v10 =	vadd.s32 v36, v10  }
0xdf: {  	v8 =	vadd.s32 v33, v8;
	v15 =	vadd.s32 v15, v19;
	v23 =	vld [tilespmem:s5+$0x30];
	v10 =	vadd.s32 v32, v10  }
0xe0: {  	v8 =	vadd.s32 v29, v8;
	v11 =	vadd.s32 v11, v15;
	v19 =	vld [tilespmem:s5+$0xB0];
	v10 =	vadd.s32 v31, v10  }
0xe1: {  	v8 =	vadd.s32 v28, v8;
	v11 =	vadd.s32 v9, v11;
	v9 =	vmovc v35;
	v29 =	vld [tilespmem:s5+$0x20];
	v10 =	vadd.s32 v26, v10  }
0xe2: {  	v8 =	vadd.s32 v22, v8;
	v11 =	vadd.s32 v7, v11;
	v7 =	vmovc v41;
	v26 =	vld [tilespmem:s5+$0xA0];
	v10 =	vadd.s32 v21, v10  }
0xe3: {  	v8 =	vadd.s32 v18, v8;
	v11 =	vadd.s32 v5, v11;
	v5 =	vmovc v53;
	v21 =	vld [tilespmem:s5+$0x10];
	v10 =	vadd.s32 v20, v10  }
0xe4: {  	v8 =	vadd.s32 v17, v8;
	v15 =	vadd.s32 v3, v11;
	v3 =	vmovc v43;
	v18 =	vld [tilespmem:s5+$0x90];
	v10 =	vadd.s32 v16, v10  }
0xe5: {  	v27 =	vadd.s32 v14, v8;
	v24 =	vadd.s32 v1, v15;
	v1 =	vmovc v6;
	v16 =	vld [tilespmem:s5+$0x0];
	v25 =	vadd.s32 v13, v10  }
0xe6: {  	v11 =	vmov v12;
	v6 =	vld [tilespmem:s5+$0x80]  }
0xe7: {  	v8 =	vld [tilespmem:s5+$0xFFFFFF70]  }
0xe8: {  	v10 =	vld [tilespmem:s5+$0xFFFFFFF0]  }
0xe9: {  	v12 =	vld [tilespmem:s5+$0xFFFFFF60]  }
0xea: {  	v13 =	vld [tilespmem:s5+$0xFFFFFFE0]  }
0xeb: {  	v14 =	vld [tilespmem:s5+$0xFFFFFF50]  }
0xec: {  	v17 =	vld [tilespmem:s5+$0xFFFFFFD0]  }
0xed: {  	v20 =	vld [tilespmem:s5+$0xFFFFFF40]  }
0xee: {  	v22 =	vld [tilespmem:s5+$0xFFFFFFC0]  }
0xef: {  	v28 =	vld [tilespmem:s5+$0xFFFFFF30]  }
0xf0: {  	v31 =	vld [tilespmem:s5+$0xFFFFFFB0]  }
0xf1: {  	v32 =	vld [tilespmem:s5+$0xFFFFFF20]  }
0xf2: {  	v33 =	vld [tilespmem:s5+$0xFFFFFFA0]  }
0xf3: {  	v35 =	vld [tilespmem:s5+$0xFFFFFF10]  }
0xf4: {  	v36 =	vld [tilespmem:s5+$0xFFFFFF90]  }
0xf5: {  	v37 =	vld [tilespmem:s5+$0xFFFFFF00]  }
0xf6: {  	vm14 =	vgt.f32 v4, v2;
	vm13 =	vgt.f32 v42, v57;
	vm10 =	vgt.f32 v39, v40;
	v38 =	vld [tilespmem:s5+$0xFFFFFF80]  }
0xf7: {  	vm15 =	vgt.f32 v30, v34;
	vm11 =	vgt.f32 v19, v23;
	vm9 =	vgt.f32 v26, v29;
	v15 =	vld [tilespmem:s7+$0x10]  }
0xf8: {  	vm12 =	vgt.f32 v18, v21;
	vm8 =	vgt.f32 v6, v16;
	vm0 =	vgt.f32 v10, v8;
	v19 =	vld [tilespmem:s7+$0x0]  }
0xf9: {  	vm3 =	vgt.f32 v13, v12;
	vm2 =	vgt.f32 v17, v14;
	vm1 =	vgt.f32 v22, v20;
	v23 =	vld [tilespmem:s7+$0xFFFFFFF0]  }
0xfa: {  	s6 =	sadd.s32 $0x2, s6;
	vm6 =	vgt.f32 v31, v28;
	vm4 =	vgt.f32 v33, v32;
	vm5 =	vgt.f32 v36, v35;
	v30 =	vld [tilespmem:s7+$0xFFFFFFE0]  }
0xfb: {  	p1 =	slt.u32 s6, $0x3E;
	v13 =	vnsel vm14, $0x0, v1;
	v14 =	vsel vm14, $0x1, v0;
	vm7 =	vgt.f32 v38, v37;
	v34 =	vld [tilespmem:s7+$0xFFFFFFD0]  }
.Ltmp3:
0xfc: {  	v18 =	vsel vm10, $0x1, v0;
	v16 =	vnsel vm13, $0x0, v3;
	v17 =	vsel vm13, $0x1, v0;
	v35 =	vld [tilespmem:s7+$0xFFFFFFC0];
	(pc) =	sbr.rel @p1 .LBB2_5-.Ltmp3, $4  }
0xfd: {  	v21 =	vnsel vm15, $0x0, v7;
	v22 =	vsel vm15, $0x1, v0;
	v20 =	vnsel vm10, $0x0, v5;
	v39 =	vld [tilespmem:s7+$0xFFFFFFB0]  }
0xfe: {  	v26 =	vnsel vm11, $0x0, v9;
	v29 =	vsel vm9, $0x1, v0;
	v28 =	vsel vm11, $0x1, v0;
	v40 =	vld [tilespmem:s7+$0xFFFFFFA0]  }
0xff: {  	v31 =	vnsel vm9, $0x0, v11;
	v33 =	vsel vm12, $0x1, v0;
	v32 =	vnsel vm12, $0x0, v15;
	v41 =	vld [tilespmem:s7+$0xFFFFFF90]  }
0x100: {  	v38 =	vsel vm0, $0x1, v0;
	v37 =	vsel vm8, $0x1, v0;
	v36 =	vnsel vm8, $0x0, v19;
	v42 =	vld [tilespmem:s7+$0xFFFFFF80];
	s7 =	sadd.s32 $0x100, s7  }
0x101: {  	s5 =	sadd.s32 @!p0 s20, s14  }
0x102: {  	s6 =	sshll.u32 @!p0 s5, $0x5  }
0x103: {  	s7 =	simm.s32 @!p0 $0x0;
	s5 =	sshll.u32 @!p0 s5, $0x4;
	s6 =	sand.u32 @!p0 $0x1FFFE800, s6  }
0x104: {  	s8 =	simm.s32 @!p0 $0x4000;
	s5 =	sand.u32 @!p0 $0x1FFFF400, s5;
	s6 =	sadd.s32 @!p0 s1, s6  }
0x105: {  	[tilespmem:s8], [sflag:$0x2] =	stream.linear.gather @!p0 [hbm4b:s6+s7], $0x4000, $0x38;
	[tilespmem:$0x18080] =	vst v63  }
0x106: {  	s5 =	sadd.s32 @!p0 s3, s5;
	s6 =	simm.s32 @!p0 $0x12000  }
0x107: {  	[tilespmem:s6], [sflag:$0x6] =	stream.linear.gather @!p0 [hbm4b:s5+s7], $0x2000, $0x38;
	[tilespmem:$0x18080] =	vst v63  }
0x108: {  	_ =	swait.ge [sflag:s31], $0x4000  }
0x109: {  	[sflag:s31] =	ssyncset.done $0x0  }
0x10a: {  	[sflag:s31] =	ssyncadd.s32 $0xFFFFC000  }
0x10b: {  	_ =	swait.ge [sflag:s2], $0x2000  }
0x10c: {  	[sflag:s2] =	ssyncset.done $0x0  }
0x10d: {  	s8 =	simm.s32 $0x14080;
	[sflag:s2] =	ssyncadd.s32 $0xFFFFE000  }
0x10e: {  	v2 =	vld [tilespmem:s8+$0x70]  }
0x10f: {  	s5 =	simm.s32 $0x8100;
	v4 =	vld [tilespmem:s8+$0x60]  }
0x110: {  	v43 =	vld [tilespmem:s5+$0x70]  }
0x111: {  	v44 =	vld [tilespmem:s5+$0xF0]  }
0x112: {  	v6 =	vld [tilespmem:s8+$0x50]  }
0x113: {  	v45 =	vld [tilespmem:s5+$0x60]  }
0x114: {  	v46 =	vld [tilespmem:s5+$0xE0]  }
0x115: {  	v8 =	vld [tilespmem:s8+$0x40]  }
0x116: {  	v47 =	vld [tilespmem:s5+$0x50]  }
0x117: {  	v48 =	vld [tilespmem:s5+$0xD0]  }
0x118: {  	v10 =	vld [tilespmem:s8+$0x30]  }
0x119: {  	v49 =	vld [tilespmem:s5+$0x40]  }
0x11a: {  	v50 =	vld [tilespmem:s5+$0xC0]  }
0x11b: {  	v12 =	vld [tilespmem:s8+$0x20]  }
0x11c: {  	v51 =	vld [tilespmem:s5+$0x30]  }
0x11d: {  	v52 =	vsel vm7, $0x1, v0;
	v53 =	vld [tilespmem:s5+$0xB0]  }
0x11e: {  	v55 =	vsel vm5, $0x1, v0;
	v27 =	vadd.s32 v52, v27;
	v52 =	vld [tilespmem:s5+$0x20]  }
0x11f: {  	v60 =	vsel vm4, $0x1, v0;
	v54 =	vnsel vm7, $0x0, v42;
	v24 =	vadd.s32 v24, v42;
	v42 =	vld [tilespmem:s5+$0xA0]  }
0x120: {  	v61 =	vsel vm6, $0x1, v0;
	v63 =	vsel vm1, $0x1, v0;
	v27 =	vadd.s32 v55, v27;
	v55 =	vld [tilespmem:s5+$0x10]  }
0x121: {  	v58 =	vnsel vm1, $0x0, v35;
	v56 =	vnsel vm5, $0x0, v41;
	v24 =	vadd.s32 v41, v24;
	v41 =	vld [tilespmem:s5+$0x90]  }
0x122: {  	v57 =	vnsel vm6, $0x0, v39;
	v62 =	vnsel vm4, $0x0, v40;
	v24 =	vadd.s32 v40, v24;
	v40 =	vld [tilespmem:s5+$0x0]  }
0x123: {  	v27 =	vadd.s32 v60, v27;
	v60 =	vsel vm2, $0x1, v0;
	v25 =	vadd.s32 v25, v54;
	v54 =	vld [tilespmem:s5+$0x80]  }
0x124: {  	v27 =	vadd.s32 v61, v27;
	v25 =	vadd.s32 v56, v25;
	v24 =	vadd.s32 v39, v24;
	v39 =	vld [tilespmem:s5+$0xFFFFFF70]  }
0x125: {  	v61 =	vsel vm3, $0x1, v0;
	v27 =	vadd.s32 v63, v27;
	v25 =	vadd.s32 v62, v25;
	v56 =	vld [tilespmem:s5+$0xFFFFFFF0]  }
0x126: {  	v27 =	vadd.s32 v60, v27;
	v25 =	vadd.s32 v57, v25;
	v24 =	vadd.s32 v35, v24;
	v35 =	vld [tilespmem:s5+$0xFFFFFF60]  }
0x127: {  	v62 =	vnsel vm2, $0x0, v34;
	v25 =	vadd.s32 v58, v25;
	v24 =	vadd.s32 v34, v24;
	v34 =	vld [tilespmem:s5+$0xFFFFFFE0]  }
0x128: {  	v63 =	vnsel vm3, $0x0, v30;
	v27 =	vadd.s32 v61, v27;
	v25 =	vadd.s32 v62, v25;
	v60 =	vld [tilespmem:s5+$0xFFFFFF50]  }
0x129: {  	v24 =	vadd.s32 v30, v24;
	v30 =	vnsel vm0, $0x0, v23;
	v25 =	vadd.s32 v63, v25;
	v61 =	vld [tilespmem:s5+$0xFFFFFFD0]  }
0x12a: {  	v27 =	vadd.s32 v38, v27;
	v23 =	vadd.s32 v23, v24;
	v24 =	vadd.s32 v30, v25;
	v30 =	vld [tilespmem:s5+$0xFFFFFF40]  }
0x12b: {  	v25 =	vadd.s32 v37, v27;
	v19 =	vadd.s32 v19, v23;
	v23 =	vadd.s32 v36, v24;
	v62 =	vld [tilespmem:s5+$0xFFFFFFC0]  }
0x12c: {  	v24 =	vadd.s32 v33, v25;
	v15 =	vadd.s32 v15, v19;
	v63 =	vld [tilespmem:s5+$0xFFFFFF30];
	v19 =	vadd.s32 v32, v23  }
0x12d: {  	v23 =	vadd.s32 v29, v24;
	v11 =	vadd.s32 v11, v15;
	v29 =	vld [tilespmem:s5+$0xFFFFFFB0];
	v15 =	vadd.s32 v31, v19  }
0x12e: {  	v19 =	vadd.s32 v28, v23;
	v9 =	vadd.s32 v9, v11;
	v23 =	vld [tilespmem:s8+$0xFFFFFFF0];
	v11 =	vadd.s32 v26, v15  }
0x12f: {  	v26 =	vld [tilespmem:s5+$0xFFFFFF20];
	v15 =	vadd.s32 v22, v19;
	v7 =	vadd.s32 v7, v9;
	v9 =	vadd.s32 v21, v11  }
0x130: {  	v19 =	vld [tilespmem:s8+$0x0];
	v15 =	vadd.s32 v18, v15;
	v5 =	vadd.s32 v5, v7;
	v7 =	vadd.s32 v20, v9  }
0x131: {  	v11 =	vld [tilespmem:s5+$0xFFFFFFA0];
	v15 =	vadd.s32 v17, v15;
	v3 =	vadd.s32 v3, v5;
	vm10 =	vgt.f32 v48, v47  }
0x132: {  	v9 =	vld [tilespmem:s5+$0xFFFFFF10];
	vm11 =	vgt.f32 v46, v45;
	vm12 =	vgt.f32 v44, v43;
	vm8 =	vgt.f32 v42, v52  }
0x133: {  	vm13 =	vgt.f32 v53, v51;
	vm14 =	vgt.f32 v50, v49;
	vm1 =	vgt.f32 v62, v30;
	v30 =	vld [tilespmem:s8+$0xFFFFFFE0]  }
0x134: {  	vm0 =	vgt.f32 v56, v39;
	vm9 =	vgt.f32 v54, v40;
	vm3 =	vgt.f32 v34, v35;
	v34 =	vld [tilespmem:s8+$0xFFFFFFD0]  }
0x135: {  	vm15 =	vgt.f32 v41, v55;
	vm2 =	vgt.f32 v61, v60;
	v5 =	vadd.s32 v16, v7;
	v7 =	vld [tilespmem:s5+$0xFFFFFF90]  }
0x136: {  	v27 =	vadd.s32 v14, v15;
	v24 =	vadd.s32 v1, v3;
	v1 =	vld [tilespmem:s5+$0xFFFFFF00];
	vm6 =	vgt.f32 v29, v63  }
0x137: {  	v3 =	vld [tilespmem:s5+$0xFFFFFF80];
	v14 =	vsel vm12, $0x1, v0;
	v18 =	vsel vm10, $0x1, v0;
	v17 =	vsel vm11, $0x1, v0  }
0x138: {  	v15 =	vld [tilespmem:s8+$0x10];
	v16 =	vnsel vm11, $0x0, v4;
	v22 =	vsel vm14, $0x1, v0;
	v21 =	vnsel vm14, $0x0, v8  }
0x139: {  	v35 =	vld [tilespmem:s8+$0xFFFFFFC0];
	v20 =	vnsel vm10, $0x0, v6;
	v29 =	vsel vm8, $0x1, v0;
	v28 =	vsel vm13, $0x1, v0  }
0x13a: {  	v39 =	vld [tilespmem:s8+$0xFFFFFFB0];
	v33 =	vsel vm15, $0x1, v0;
	v31 =	vnsel vm8, $0x0, v12;
	v38 =	vsel vm0, $0x1, v0  }
0x13b: {  	v40 =	vld [tilespmem:s8+$0xFFFFFFA0];
	v37 =	vsel vm9, $0x1, v0;
	v25 =	vadd.s32 v13, v5;
	v13 =	vnsel vm12, $0x0, v2  }
0x13c: {  	v41 =	vld [tilespmem:s8+$0xFFFFFF90];
	v36 =	vnsel vm9, $0x0, v19;
	vm4 =	vgt.f32 v11, v26;
	v26 =	vnsel vm13, $0x0, v10  }
0x13d: {  	s6 =	simm.s32 $0x0;
	s7 =	simm.s32 $0x14180;
	v42 =	vld [tilespmem:s8+$0xFFFFFF80];
	vm5 =	vgt.f32 v7, v9;
	vm7 =	vgt.f32 v3, v1;
	v32 =	vnsel vm15, $0x0, v15  }
.LBB2_7:
0x13e: {  	v5 =	vld [tilespmem:s7+$0x70];
	v7 =	vsel vm3, $0x1, v0;
	v9 =	vnsel vm3, $0x0, v30;
	v11 =	vnsel vm0, $0x0, v23  }
0x13f: {  	v44 =	vsel vm1, $0x1, v0;
	v45 =	vsel vm2, $0x1, v0;
	v46 =	vnsel vm2, $0x0, v34;
	s5 =	sadd.s32 $0x200, s5;
	v43 =	vld [tilespmem:s7+$0x60]  }
0x140: {  	v47 =	vsel vm6, $0x1, v0;
	v49 =	vnsel vm1, $0x0, v35;
	v48 =	vnsel vm6, $0x0, v39;
	v1 =	vld [tilespmem:s5+$0x70]  }
0x141: {  	v50 =	vsel vm5, $0x1, v0;
	v51 =	vsel vm4, $0x1, v0;
	v52 =	vnsel vm4, $0x0, v40;
	v3 =	vld [tilespmem:s5+$0xF0]  }
0x142: {  	v54 =	vsel vm7, $0x1, v0;
	v56 =	vnsel vm5, $0x0, v41;
	v53 =	vld [tilespmem:s7+$0x50];
	v55 =	vnsel vm7, $0x0, v42  }
0x143: {  	v27 =	vadd.s32 v54, v27;
	v24 =	vadd.s32 v24, v42;
	v57 =	vld [tilespmem:s5+$0x60];
	v25 =	vadd.s32 v25, v55  }
0x144: {  	v27 =	vadd.s32 v50, v27;
	v24 =	vadd.s32 v41, v24;
	v42 =	vld [tilespmem:s5+$0xE0];
	v25 =	vadd.s32 v56, v25  }
0x145: {  	v27 =	vadd.s32 v51, v27;
	v24 =	vadd.s32 v40, v24;
	v41 =	vld [tilespmem:s7+$0x40];
	v25 =	vadd.s32 v52, v25  }
0x146: {  	v27 =	vadd.s32 v47, v27;
	v24 =	vadd.s32 v39, v24;
	v40 =	vld [tilespmem:s5+$0x50];
	v25 =	vadd.s32 v48, v25  }
0x147: {  	v27 =	vadd.s32 v44, v27;
	v24 =	vadd.s32 v35, v24;
	v39 =	vld [tilespmem:s5+$0xD0];
	v25 =	vadd.s32 v49, v25  }
0x148: {  	v27 =	vadd.s32 v45, v27;
	v24 =	vadd.s32 v34, v24;
	v35 =	vld [tilespmem:s7+$0x30];
	v25 =	vadd.s32 v46, v25  }
0x149: {  	v7 =	vadd.s32 v7, v27;
	v24 =	vadd.s32 v30, v24;
	v34 =	vld [tilespmem:s5+$0x40];
	v9 =	vadd.s32 v9, v25  }
0x14a: {  	v7 =	vadd.s32 v38, v7;
	v23 =	vadd.s32 v23, v24;
	v30 =	vld [tilespmem:s5+$0xC0];
	v9 =	vadd.s32 v11, v9  }
0x14b: {  	v7 =	vadd.s32 v37, v7;
	v19 =	vadd.s32 v19, v23;
	v11 =	vld [tilespmem:s7+$0x20];
	v9 =	vadd.s32 v36, v9  }
0x14c: {  	v7 =	vadd.s32 v33, v7;
	v15 =	vadd.s32 v15, v19;
	v23 =	vld [tilespmem:s5+$0x30];
	v9 =	vadd.s32 v32, v9  }
0x14d: {  	v7 =	vadd.s32 v29, v7;
	v12 =	vadd.s32 v12, v15;
	v19 =	vld [tilespmem:s5+$0xB0];
	v9 =	vadd.s32 v31, v9  }
0x14e: {  	v7 =	vadd.s32 v28, v7;
	v12 =	vadd.s32 v10, v12;
	v10 =	vmovc v35;
	v29 =	vld [tilespmem:s5+$0x20];
	v9 =	vadd.s32 v26, v9  }
0x14f: {  	v7 =	vadd.s32 v22, v7;
	v12 =	vadd.s32 v8, v12;
	v8 =	vmovc v41;
	v26 =	vld [tilespmem:s5+$0xA0];
	v9 =	vadd.s32 v21, v9  }
0x150: {  	v7 =	vadd.s32 v18, v7;
	v12 =	vadd.s32 v6, v12;
	v6 =	vmovc v53;
	v21 =	vld [tilespmem:s5+$0x10];
	v9 =	vadd.s32 v20, v9  }
0x151: {  	v7 =	vadd.s32 v17, v7;
	v15 =	vadd.s32 v4, v12;
	v4 =	vmovc v43;
	v18 =	vld [tilespmem:s5+$0x90];
	v9 =	vadd.s32 v16, v9  }
0x152: {  	v27 =	vadd.s32 v14, v7;
	v24 =	vadd.s32 v2, v15;
	v2 =	vmovc v5;
	v16 =	vld [tilespmem:s5+$0x0];
	v25 =	vadd.s32 v13, v9  }
0x153: {  	v12 =	vmov v11;
	v5 =	vld [tilespmem:s5+$0x80]  }
0x154: {  	v7 =	vld [tilespmem:s5+$0xFFFFFF70]  }
0x155: {  	v9 =	vld [tilespmem:s5+$0xFFFFFFF0]  }
0x156: {  	v11 =	vld [tilespmem:s5+$0xFFFFFF60]  }
0x157: {  	v13 =	vld [tilespmem:s5+$0xFFFFFFE0]  }
0x158: {  	v14 =	vld [tilespmem:s5+$0xFFFFFF50]  }
0x159: {  	v17 =	vld [tilespmem:s5+$0xFFFFFFD0]  }
0x15a: {  	v20 =	vld [tilespmem:s5+$0xFFFFFF40]  }
0x15b: {  	v22 =	vld [tilespmem:s5+$0xFFFFFFC0]  }
0x15c: {  	v28 =	vld [tilespmem:s5+$0xFFFFFF30]  }
0x15d: {  	v31 =	vld [tilespmem:s5+$0xFFFFFFB0]  }
0x15e: {  	v32 =	vld [tilespmem:s5+$0xFFFFFF20]  }
0x15f: {  	v33 =	vld [tilespmem:s5+$0xFFFFFFA0]  }
0x160: {  	v35 =	vld [tilespmem:s5+$0xFFFFFF10]  }
0x161: {  	v36 =	vld [tilespmem:s5+$0xFFFFFF90]  }
0x162: {  	v37 =	vld [tilespmem:s5+$0xFFFFFF00]  }
0x163: {  	vm14 =	vgt.f32 v3, v1;
	vm13 =	vgt.f32 v42, v57;
	vm10 =	vgt.f32 v39, v40;
	v38 =	vld [tilespmem:s5+$0xFFFFFF80]  }
0x164: {  	vm15 =	vgt.f32 v30, v34;
	vm11 =	vgt.f32 v19, v23;
	vm9 =	vgt.f32 v26, v29;
	v15 =	vld [tilespmem:s7+$0x10]  }
0x165: {  	vm12 =	vgt.f32 v18, v21;
	vm8 =	vgt.f32 v5, v16;
	vm0 =	vgt.f32 v9, v7;
	v19 =	vld [tilespmem:s7+$0x0]  }
0x166: {  	vm3 =	vgt.f32 v13, v11;
	vm2 =	vgt.f32 v17, v14;
	vm1 =	vgt.f32 v22, v20;
	v23 =	vld [tilespmem:s7+$0xFFFFFFF0]  }
0x167: {  	s6 =	sadd.s32 $0x2, s6;
	vm6 =	vgt.f32 v31, v28;
	vm4 =	vgt.f32 v33, v32;
	vm5 =	vgt.f32 v36, v35;
	v30 =	vld [tilespmem:s7+$0xFFFFFFE0]  }
0x168: {  	p1 =	slt.u32 s6, $0x3E;
	v13 =	vnsel vm14, $0x0, v2;
	v14 =	vsel vm14, $0x1, v0;
	vm7 =	vgt.f32 v38, v37;
	v34 =	vld [tilespmem:s7+$0xFFFFFFD0]  }
.Ltmp4:
0x169: {  	v18 =	vsel vm10, $0x1, v0;
	v16 =	vnsel vm13, $0x0, v4;
	v17 =	vsel vm13, $0x1, v0;
	v35 =	vld [tilespmem:s7+$0xFFFFFFC0];
	(pc) =	sbr.rel @p1 .LBB2_7-.Ltmp4, $4  }
0x16a: {  	v21 =	vnsel vm15, $0x0, v8;
	v22 =	vsel vm15, $0x1, v0;
	v20 =	vnsel vm10, $0x0, v6;
	v39 =	vld [tilespmem:s7+$0xFFFFFFB0]  }
0x16b: {  	v26 =	vnsel vm11, $0x0, v10;
	v29 =	vsel vm9, $0x1, v0;
	v28 =	vsel vm11, $0x1, v0;
	v40 =	vld [tilespmem:s7+$0xFFFFFFA0]  }
0x16c: {  	v31 =	vnsel vm9, $0x0, v12;
	v33 =	vsel vm12, $0x1, v0;
	v32 =	vnsel vm12, $0x0, v15;
	v41 =	vld [tilespmem:s7+$0xFFFFFF90]  }
0x16d: {  	v38 =	vsel vm0, $0x1, v0;
	v37 =	vsel vm8, $0x1, v0;
	v36 =	vnsel vm8, $0x0, v19;
	v42 =	vld [tilespmem:s7+$0xFFFFFF80];
	s7 =	sadd.s32 $0x100, s7  }
0x16e: {  	s5 =	sadd.s32 @!p0 s20, s15  }
0x16f: {  	s6 =	sshll.u32 @!p0 s5, $0x5  }
0x170: {  	s7 =	simm.s32 @!p0 $0x0;
	s5 =	sshll.u32 @!p0 s5, $0x4;
	s6 =	sand.u32 @!p0 $0x1FFFF000, s6  }
0x171: {  	s8 =	simm.s32 @!p0 $0x8000;
	s5 =	sand.u32 @!p0 $0x1FFFF800, s5;
	s6 =	sadd.s32 @!p0 s1, s6  }
0x172: {  	[tilespmem:s8], [sflag:$0x3] =	stream.linear.gather @!p0 [hbm4b:s6+s7], $0x4000, $0x38;
	[tilespmem:$0x18080] =	vst v63  }
0x173: {  	s5 =	sadd.s32 @!p0 s3, s5;
	s6 =	simm.s32 @!p0 $0x14000  }
0x174: {  	[tilespmem:s6], [sflag:$0x7] =	stream.linear.gather @!p0 [hbm4b:s5+s7], $0x2000, $0x38;
	[tilespmem:$0x18080] =	vst v63  }
0x175: {  	_ =	swait.ge [sflag:s0], $0x4000  }
0x176: {  	[sflag:s0] =	ssyncset.done $0x0  }
0x177: {  	[sflag:s0] =	ssyncadd.s32 $0xFFFFC000  }
0x178: {  	_ =	swait.ge [sflag:s19], $0x2000  }
0x179: {  	[sflag:s19] =	ssyncset.done $0x0  }
0x17a: {  	s8 =	simm.s32 $0x16080;
	[sflag:s19] =	ssyncadd.s32 $0xFFFFE000  }
0x17b: {  	v1 =	vld [tilespmem:s8+$0x70]  }
0x17c: {  	s5 =	simm.s32 $0xC100;
	v3 =	vld [tilespmem:s8+$0x60]  }
0x17d: {  	v43 =	vld [tilespmem:s5+$0x70]  }
0x17e: {  	v44 =	vld [tilespmem:s5+$0xF0]  }
0x17f: {  	v5 =	vld [tilespmem:s8+$0x50]  }
0x180: {  	v45 =	vld [tilespmem:s5+$0x60]  }
0x181: {  	v46 =	vld [tilespmem:s5+$0xE0]  }
0x182: {  	v7 =	vld [tilespmem:s8+$0x40]  }
0x183: {  	v47 =	vld [tilespmem:s5+$0x50]  }
0x184: {  	v48 =	vld [tilespmem:s5+$0xD0]  }
0x185: {  	v9 =	vld [tilespmem:s8+$0x30]  }
0x186: {  	v49 =	vld [tilespmem:s5+$0x40]  }
0x187: {  	v50 =	vld [tilespmem:s5+$0xC0]  }
0x188: {  	v11 =	vld [tilespmem:s8+$0x20]  }
0x189: {  	v51 =	vld [tilespmem:s5+$0x30]  }
0x18a: {  	v52 =	vsel vm7, $0x1, v0;
	v53 =	vld [tilespmem:s5+$0xB0]  }
0x18b: {  	v55 =	vsel vm5, $0x1, v0;
	v27 =	vadd.s32 v52, v27;
	v52 =	vld [tilespmem:s5+$0x20]  }
0x18c: {  	v61 =	vsel vm4, $0x1, v0;
	v54 =	vnsel vm7, $0x0, v42;
	v24 =	vadd.s32 v24, v42;
	v42 =	vld [tilespmem:s5+$0xA0]  }
0x18d: {  	v62 =	vsel vm6, $0x1, v0;
	v60 =	vsel vm1, $0x1, v0;
	v27 =	vadd.s32 v55, v27;
	v55 =	vld [tilespmem:s5+$0x10]  }
0x18e: {  	v58 =	vnsel vm1, $0x0, v35;
	v56 =	vnsel vm5, $0x0, v41;
	v24 =	vadd.s32 v41, v24;
	v41 =	vld [tilespmem:s5+$0x90]  }
0x18f: {  	v57 =	vnsel vm6, $0x0, v39;
	v63 =	vnsel vm4, $0x0, v40;
	v24 =	vadd.s32 v40, v24;
	v40 =	vld [tilespmem:s5+$0x0]  }
0x190: {  	v27 =	vadd.s32 v61, v27;
	v61 =	vsel vm2, $0x1, v0;
	v25 =	vadd.s32 v25, v54;
	v54 =	vld [tilespmem:s5+$0x80]  }
0x191: {  	v27 =	vadd.s32 v62, v27;
	v25 =	vadd.s32 v56, v25;
	v24 =	vadd.s32 v39, v24;
	v39 =	vld [tilespmem:s5+$0xFFFFFF70]  }
0x192: {  	v62 =	vsel vm3, $0x1, v0;
	v27 =	vadd.s32 v60, v27;
	v25 =	vadd.s32 v63, v25;
	v56 =	vld [tilespmem:s5+$0xFFFFFFF0]  }
0x193: {  	v27 =	vadd.s32 v61, v27;
	v25 =	vadd.s32 v57, v25;
	v24 =	vadd.s32 v35, v24;
	v35 =	vld [tilespmem:s5+$0xFFFFFF60]  }
0x194: {  	v61 =	vnsel vm3, $0x0, v30;
	v63 =	vnsel vm2, $0x0, v34;
	v25 =	vadd.s32 v58, v25;
	v60 =	vld [tilespmem:s5+$0xFFFFFFE0]  }
0x195: {  	v27 =	vadd.s32 v62, v27;
	v24 =	vadd.s32 v34, v24;
	v25 =	vadd.s32 v63, v25;
	v62 =	vld [tilespmem:s5+$0xFFFFFF50]  }
0x196: {  	v24 =	vadd.s32 v30, v24;
	v30 =	vnsel vm0, $0x0, v23;
	v25 =	vadd.s32 v61, v25;
	v63 =	vld [tilespmem:s5+$0xFFFFFFD0]  }
0x197: {  	v27 =	vadd.s32 v38, v27;
	v23 =	vadd.s32 v23, v24;
	v24 =	vadd.s32 v30, v25;
	v25 =	vld [tilespmem:s5+$0xFFFFFF40]  }
0x198: {  	v27 =	vadd.s32 v37, v27;
	v19 =	vadd.s32 v19, v23;
	v23 =	vadd.s32 v36, v24;
	v24 =	vld [tilespmem:s5+$0xFFFFFFC0]  }
0x199: {  	v27 =	vadd.s32 v33, v27;
	v15 =	vadd.s32 v15, v19;
	v34 =	vld [tilespmem:s8+$0xFFFFFFB0];
	v19 =	vadd.s32 v32, v23  }
0x19a: {  	v27 =	vadd.s32 v29, v27;
	v36 =	vld [tilespmem:s8+$0xFFFFFFA0];
	v12 =	vadd.s32 v12, v15;
	v15 =	vadd.s32 v31, v19  }
0x19b: {  	v27 =	vadd.s32 v28, v27;
	v23 =	vld [tilespmem:s5+$0xFFFFFF30];
	v10 =	vadd.s32 v10, v12;
	v12 =	vadd.s32 v26, v15  }
0x19c: {  	v19 =	vld [tilespmem:s5+$0xFFFFFFB0];
	v15 =	vadd.s32 v22, v27;
	v8 =	vadd.s32 v8, v10;
	v10 =	vadd.s32 v21, v12  }
0x19d: {  	v26 =	vld [tilespmem:s5+$0xFFFFFF20];
	v15 =	vadd.s32 v18, v15;
	v6 =	vadd.s32 v6, v8;
	v8 =	vadd.s32 v20, v10  }
0x19e: {  	v12 =	vld [tilespmem:s5+$0xFFFFFFA0];
	v15 =	vadd.s32 v17, v15;
	v4 =	vadd.s32 v4, v6;
	vm10 =	vgt.f32 v48, v47  }
0x19f: {  	v10 =	vld [tilespmem:s5+$0xFFFFFF10];
	vm11 =	vgt.f32 v46, v45;
	vm12 =	vgt.f32 v44, v43;
	vm8 =	vgt.f32 v42, v52  }
0x1a0: {  	vm13 =	vgt.f32 v53, v51;
	vm14 =	vgt.f32 v50, v49;
	vm4 =	vgt.f32 v56, v39;
	v20 =	vld [tilespmem:s8+$0xFFFFFFF0]  }
0x1a1: {  	vm9 =	vgt.f32 v54, v40;
	vm15 =	vgt.f32 v41, v55;
	v6 =	vadd.s32 v16, v8;
	v8 =	vld [tilespmem:s5+$0xFFFFFF90]  }
0x1a2: {  	vm1 =	vgt.f32 v24, v25;
	v14 =	vadd.s32 v14, v15;
	v15 =	vadd.s32 v2, v4;
	v2 =	vld [tilespmem:s5+$0xFFFFFF00]  }
0x1a3: {  	vm5 =	vgt.f32 v63, v62;
	vm7 =	vgt.f32 v60, v35;
	v4 =	vld [tilespmem:s5+$0xFFFFFF80];
	v18 =	vnsel vm14, $0x0, v7  }
0x1a4: {  	v17 =	vnsel vm10, $0x0, v5;
	v24 =	vsel vm8, $0x1, v0;
	v16 =	vadd.s32 v13, v6;
	v6 =	vld [tilespmem:s8+$0x10]  }
0x1a5: {  	v22 =	vsel vm13, $0x1, v0;
	v21 =	vnsel vm13, $0x0, v9;
	v28 =	vsel vm15, $0x1, v0;
	v13 =	vld [tilespmem:s8+$0x0]  }
0x1a6: {  	v25 =	vnsel vm8, $0x0, v11;
	v35 =	vsel vm4, $0x1, v0;
	vm6 =	vgt.f32 v19, v23;
	v23 =	vld [tilespmem:s8+$0xFFFFFFE0]  }
0x1a7: {  	v33 =	vsel vm9, $0x1, v0;
	v19 =	vsel vm14, $0x1, v0;
	vm2 =	vgt.f32 v12, v26;
	v26 =	vld [tilespmem:s8+$0xFFFFFFD0]  }
0x1a8: {  	v31 =	vld [tilespmem:s8+$0xFFFFFFC0];
	v12 =	vsel vm10, $0x1, v0;
	vm0 =	vgt.f32 v8, v10;
	vm3 =	vgt.f32 v4, v2  }
0x1a9: {  	v37 =	vld [tilespmem:s8+$0xFFFFFF90];
	v4 =	vsel vm12, $0x1, v0;
	v2 =	vnsel vm12, $0x0, v1;
	v10 =	vsel vm11, $0x1, v0  }
0x1aa: {  	s6 =	simm.s32 $0x0;
	s7 =	simm.s32 $0x16180;
	v38 =	vld [tilespmem:s8+$0xFFFFFF80];
	v8 =	vnsel vm11, $0x0, v3;
	v27 =	vnsel vm15, $0x0, v6;
	v32 =	vnsel vm9, $0x0, v13  }
.LBB2_9:
0x1ab: {  	v39 =	vld [tilespmem:s7+$0x70];
	v40 =	vsel vm7, $0x1, v0;
	v41 =	vnsel vm7, $0x0, v23;
	v42 =	vnsel vm4, $0x0, v20  }
0x1ac: {  	v44 =	vsel vm1, $0x1, v0;
	v45 =	vsel vm5, $0x1, v0;
	v46 =	vnsel vm5, $0x0, v26;
	s5 =	sadd.s32 $0x200, s5;
	v43 =	vld [tilespmem:s7+$0x60]  }
0x1ad: {  	v47 =	vsel vm6, $0x1, v0;
	v49 =	vnsel vm1, $0x0, v31;
	v48 =	vnsel vm6, $0x0, v34;
	v29 =	vld [tilespmem:s5+$0x70]  }
0x1ae: {  	v50 =	vsel vm0, $0x1, v0;
	v51 =	vsel vm2, $0x1, v0;
	v52 =	vnsel vm2, $0x0, v36;
	v30 =	vld [tilespmem:s5+$0xF0]  }
0x1af: {  	v54 =	vsel vm3, $0x1, v0;
	v56 =	vnsel vm0, $0x0, v37;
	v53 =	vld [tilespmem:s7+$0x50];
	v55 =	vnsel vm3, $0x0, v38  }
0x1b0: {  	v14 =	vadd.s32 v54, v14;
	v15 =	vadd.s32 v15, v38;
	v57 =	vld [tilespmem:s5+$0x60];
	v16 =	vadd.s32 v16, v55  }
0x1b1: {  	v14 =	vadd.s32 v50, v14;
	v15 =	vadd.s32 v37, v15;
	v38 =	vld [tilespmem:s5+$0xE0];
	v16 =	vadd.s32 v56, v16  }
0x1b2: {  	v14 =	vadd.s32 v51, v14;
	v15 =	vadd.s32 v36, v15;
	v37 =	vld [tilespmem:s7+$0x40];
	v16 =	vadd.s32 v52, v16  }
0x1b3: {  	v14 =	vadd.s32 v47, v14;
	v15 =	vadd.s32 v34, v15;
	v36 =	vld [tilespmem:s5+$0x50];
	v16 =	vadd.s32 v48, v16  }
0x1b4: {  	v14 =	vadd.s32 v44, v14;
	v15 =	vadd.s32 v31, v15;
	v34 =	vld [tilespmem:s5+$0xD0];
	v16 =	vadd.s32 v49, v16  }
0x1b5: {  	v14 =	vadd.s32 v45, v14;
	v15 =	vadd.s32 v26, v15;
	v31 =	vld [tilespmem:s7+$0x30];
	v16 =	vadd.s32 v46, v16  }
0x1b6: {  	v14 =	vadd.s32 v40, v14;
	v15 =	vadd.s32 v23, v15;
	v26 =	vld [tilespmem:s5+$0x40];
	v16 =	vadd.s32 v41, v16  }
0x1b7: {  	v14 =	vadd.s32 v35, v14;
	v15 =	vadd.s32 v20, v15;
	v23 =	vld [tilespmem:s5+$0xC0];
	v16 =	vadd.s32 v42, v16  }
0x1b8: {  	v14 =	vadd.s32 v33, v14;
	v13 =	vadd.s32 v13, v15;
	v20 =	vld [tilespmem:s7+$0x20];
	v15 =	vadd.s32 v32, v16  }
0x1b9: {  	v14 =	vadd.s32 v28, v14;
	v6 =	vadd.s32 v6, v13;
	v32 =	vld [tilespmem:s5+$0x30];
	v13 =	vadd.s32 v27, v15  }
0x1ba: {  	v14 =	vadd.s32 v24, v14;
	v6 =	vadd.s32 v11, v6;
	v27 =	vld [tilespmem:s5+$0xB0];
	v11 =	vadd.s32 v25, v13  }
0x1bb: {  	v14 =	vadd.s32 v22, v14;
	v6 =	vadd.s32 v9, v6;
	v9 =	vmovc v31;
	v13 =	vld [tilespmem:s5+$0x20];
	v11 =	vadd.s32 v21, v11  }
0x1bc: {  	v14 =	vadd.s32 v19, v14;
	v6 =	vadd.s32 v7, v6;
	v7 =	vmovc v37;
	v21 =	vld [tilespmem:s5+$0xA0];
	v11 =	vadd.s32 v18, v11  }
0x1bd: {  	v12 =	vadd.s32 v12, v14;
	v6 =	vadd.s32 v5, v6;
	v5 =	vmovc v53;
	v18 =	vld [tilespmem:s5+$0x10];
	v11 =	vadd.s32 v17, v11  }
0x1be: {  	v10 =	vadd.s32 v10, v12;
	v6 =	vadd.s32 v3, v6;
	v3 =	vmovc v43;
	v17 =	vld [tilespmem:s5+$0x90];
	v8 =	vadd.s32 v8, v11  }
0x1bf: {  	v14 =	vadd.s32 v4, v10;
	v15 =	vadd.s32 v1, v6;
	v1 =	vmovc v39;
	v12 =	vld [tilespmem:s5+$0x0];
	v16 =	vadd.s32 v2, v8  }
0x1c0: {  	v2 =	vld [tilespmem:s5+$0x80];
	v11 =	vmov v20  }
0x1c1: {  	v4 =	vld [tilespmem:s5+$0xFFFFFF70]  }
0x1c2: {  	v8 =	vld [tilespmem:s5+$0xFFFFFFF0]  }
0x1c3: {  	v10 =	vld [tilespmem:s5+$0xFFFFFF60]  }
0x1c4: {  	v19 =	vld [tilespmem:s5+$0xFFFFFFE0]  }
0x1c5: {  	v20 =	vld [tilespmem:s5+$0xFFFFFF50]  }
0x1c6: {  	v22 =	vld [tilespmem:s5+$0xFFFFFFD0]  }
0x1c7: {  	v24 =	vld [tilespmem:s5+$0xFFFFFF40]  }
0x1c8: {  	v25 =	vld [tilespmem:s5+$0xFFFFFFC0]  }
0x1c9: {  	v28 =	vld [tilespmem:s5+$0xFFFFFF30]  }
0x1ca: {  	v31 =	vld [tilespmem:s5+$0xFFFFFFB0]  }
0x1cb: {  	v33 =	vld [tilespmem:s5+$0xFFFFFF20]  }
0x1cc: {  	v35 =	vld [tilespmem:s5+$0xFFFFFFA0]  }
0x1cd: {  	v37 =	vld [tilespmem:s5+$0xFFFFFF10]  }
0x1ce: {  	v39 =	vld [tilespmem:s5+$0xFFFFFF90]  }
0x1cf: {  	v40 =	vld [tilespmem:s5+$0xFFFFFF00]  }
0x1d0: {  	vm14 =	vgt.f32 v30, v29;
	vm13 =	vgt.f32 v38, v57;
	vm10 =	vgt.f32 v34, v36;
	v41 =	vld [tilespmem:s5+$0xFFFFFF80]  }
0x1d1: {  	vm15 =	vgt.f32 v23, v26;
	vm11 =	vgt.f32 v27, v32;
	vm9 =	vgt.f32 v21, v13;
	v6 =	vld [tilespmem:s7+$0x10]  }
0x1d2: {  	vm12 =	vgt.f32 v17, v18;
	vm8 =	vgt.f32 v2, v12;
	vm4 =	vgt.f32 v8, v4;
	v13 =	vld [tilespmem:s7+$0x0]  }
0x1d3: {  	vm7 =	vgt.f32 v19, v10;
	vm5 =	vgt.f32 v22, v20;
	vm1 =	vgt.f32 v25, v24;
	v20 =	vld [tilespmem:s7+$0xFFFFFFF0]  }
0x1d4: {  	s6 =	sadd.s32 $0x2, s6;
	vm6 =	vgt.f32 v31, v28;
	vm2 =	vgt.f32 v35, v33;
	vm0 =	vgt.f32 v39, v37;
	v23 =	vld [tilespmem:s7+$0xFFFFFFE0]  }
0x1d5: {  	p1 =	slt.u32 s6, $0x3E;
	v2 =	vnsel vm14, $0x0, v1;
	v4 =	vsel vm14, $0x1, v0;
	vm3 =	vgt.f32 v41, v40;
	v26 =	vld [tilespmem:s7+$0xFFFFFFD0]  }
.Ltmp5:
0x1d6: {  	v12 =	vsel vm10, $0x1, v0;
	v8 =	vnsel vm13, $0x0, v3;
	v10 =	vsel vm13, $0x1, v0;
	v31 =	vld [tilespmem:s7+$0xFFFFFFC0];
	(pc) =	sbr.rel @p1 .LBB2_9-.Ltmp5, $4  }
0x1d7: {  	v18 =	vnsel vm15, $0x0, v7;
	v17 =	vnsel vm10, $0x0, v5;
	v19 =	vsel vm15, $0x1, v0;
	v34 =	vld [tilespmem:s7+$0xFFFFFFB0]  }
0x1d8: {  	v21 =	vnsel vm11, $0x0, v9;
	v22 =	vsel vm11, $0x1, v0;
	v24 =	vsel vm9, $0x1, v0;
	v36 =	vld [tilespmem:s7+$0xFFFFFFA0]  }
0x1d9: {  	v25 =	vnsel vm9, $0x0, v11;
	v28 =	vsel vm12, $0x1, v0;
	v27 =	vnsel vm12, $0x0, v6;
	v37 =	vld [tilespmem:s7+$0xFFFFFF90]  }
0x1da: {  	v35 =	vsel vm4, $0x1, v0;
	v33 =	vsel vm8, $0x1, v0;
	v32 =	vnsel vm8, $0x0, v13;
	v38 =	vld [tilespmem:s7+$0xFFFFFF80];
	s7 =	sadd.s32 $0x100, s7  }
0x1db: {  	v29 =	vsel vm7, $0x1, v0;
	v30 =	vnsel vm7, $0x0, v23;
	v39 =	vnsel vm4, $0x0, v20  }
0x1dc: {  	v40 =	vsel vm1, $0x1, v0;
	v41 =	vsel vm5, $0x1, v0;
	v42 =	vnsel vm5, $0x0, v26  }
0x1dd: {  	v43 =	vsel vm6, $0x1, v0;
	v45 =	vnsel vm1, $0x0, v31;
	v46 =	vsel vm0, $0x1, v0  }
0x1de: {  	v47 =	vsel vm2, $0x1, v0;
	v49 =	vsel vm3, $0x1, v0;
	v44 =	vnsel vm6, $0x0, v34  }
0x1df: {  	v14 =	vadd.s32 v49, v14;
	v48 =	vnsel vm2, $0x0, v36;
	v50 =	vnsel vm3, $0x0, v38  }
0x1e0: {  	v51 =	vnsel vm0, $0x0, v37;
	v15 =	vadd.s32 v15, v38;
	v16 =	vadd.s32 v16, v50  }
0x1e1: {  	v14 =	vadd.s32 v46, v14;
	v15 =	vadd.s32 v37, v15;
	v16 =	vadd.s32 v51, v16  }
0x1e2: {  	v14 =	vadd.s32 v47, v14;
	v15 =	vadd.s32 v36, v15;
	v16 =	vadd.s32 v48, v16  }
0x1e3: {  	v14 =	vadd.s32 v43, v14;
	v15 =	vadd.s32 v34, v15;
	v16 =	vadd.s32 v44, v16  }
0x1e4: {  	v14 =	vadd.s32 v40, v14;
	v15 =	vadd.s32 v31, v15;
	v16 =	vadd.s32 v45, v16  }
0x1e5: {  	v14 =	vadd.s32 v41, v14;
	v15 =	vadd.s32 v26, v15;
	v16 =	vadd.s32 v42, v16  }
0x1e6: {  	v14 =	vadd.s32 v29, v14;
	v15 =	vadd.s32 v23, v15;
	v16 =	vadd.s32 v30, v16  }
0x1e7: {  	v14 =	vadd.s32 v35, v14;
	v15 =	vadd.s32 v20, v15;
	v16 =	vadd.s32 v39, v16  }
0x1e8: {  	v14 =	vadd.s32 v33, v14;
	v13 =	vadd.s32 v13, v15;
	v15 =	vadd.s32 v32, v16  }
0x1e9: {  	v14 =	vadd.s32 v28, v14;
	v6 =	vadd.s32 v6, v13;
	v13 =	vadd.s32 v27, v15  }
0x1ea: {  	v14 =	vadd.s32 v24, v14;
	v6 =	vadd.s32 v11, v6;
	v56 =	vadd.s32 v25, v13  }
.Ltmp6:
0x1eb: {  	v13 =	vadd.s32 v22, v14;
	v6 =	vadd.s32 v9, v6;
	v57 =	vadd.s32 v21, v56;
	(pc) =	sbr.rel @p0 .LBB2_12-.Ltmp6, $4  }
0x1ec: {  	v58 =	vadd.s32 v19, v13;
	v6 =	vadd.s32 v7, v6;
	v59 =	vadd.s32 v18, v57  }
0x1ed: {  	v60 =	vadd.s32 v12, v58;
	v5 =	vadd.s32 v5, v6;
	v61 =	vadd.s32 v17, v59  }
0x1ee: {  	v62 =	vadd.s32 v10, v60;
	v3 =	vadd.s32 v3, v5;
	v63 =	vadd.s32 v8, v61  }
0x1ef: {  	v17 =	vadd.s32 v4, v62;
	v15 =	vadd.s32 v1, v3;
	v13 =	vadd.s32 v2, v63  }
0x1f0: {  	s5 =	sadd.s32 s20, s16  }
0x1f1: {  	s6 =	sshll.u32 s5, $0x5  }
.Ltmp7:
0x1f2: {  	s5 =	sshll.u32 s5, $0x4;
	s6 =	sand.u32 $0x1FFFF800, s6;
	(pc) =	sbr.rel .LBB2_2-.Ltmp7, $4  }
0x1f3: {  	s5 =	sand.u32 $0x1FFFFC00, s5;
	s6 =	sadd.s32 s1, s6  }
0x1f4: {  	[tilespmem:s24], [sflag:$0x4] =	stream.linear.gather [hbm4b:s6+s4], $0x4000, $0x38;
	[tilespmem:$0x18080] =	vst v63  }
0x1f5: {  	s23 =	sadd.s32 $0x1, s23;
	s5 =	sadd.s32 s3, s5  }
0x1f6: {  	[tilespmem:s25], [sflag:$0x8] =	stream.linear.gather [hbm4b:s5+s4], $0x2000, $0x38;
	[tilespmem:$0x18080] =	vst v63  }
.LBB2_13:
0x1f7: {  	_ =	sfence.sel $0x180000  }
0x1f8: {  	[bflag:$0x0] =	sbarrier.arrive $0xFFFF  }
0x1f9: {  	_ =	strace $0x90000047  }
0x1fa: {  	s0 =	stileid.u32;
	[bflag:$0x2] =	sbarrier.arrive $0xFFFF  }
0x1fb: {  	p0 =	sne.s32 s0, $0x0;
	s0 =	rddreg [dreg:$0x3]  }
0x1fc: {  	s0 =	sadd.s32 @!p0 $0x100000, s0  }
0x1fd: {  	[sflag:s0] =	ssyncadd.tile.s32 @!p0 $0x1;
	_ =	shalt  }
.Lfunc_end2:
_tile_overlayer_lowered:
.L_overlay_start_2:
0x1fe: {  	(tag) =	ssettag $0x2  }
0x1ff: {  	s0 =	rddreg [dreg:$0x0];
	s2 =	stileid.u32  }
0x200: {  	s1 =	rddreg [dreg:$0x1];
	p0 =	sne.s32 s2, $0x0  }
0x201: {  	s3 =	rddreg [dreg:$0x2];
	[bflag:$0x3] =	sbarrier.arrive $0xFFFF;
	s2 =	simm.s32 @!p0 $0x1C09  }
0x202: {  	[timem:s3], [sflag:s2] =	dma.local @!p0 [hbm:s0], s1  }
0x203: {  	s0 =	simm.s32 @!p0 $0x9  }
0x204: {  	_ =	swait.ge @!p0 [sflag:s0], s1  }
0x205: {  	s1 =	ssub.s32 @!p0 $0x0, s1;
	[sflag:s0] =	ssyncset.done @!p0 $0x0  }
0x206: {  	[sflag:s0] =	ssyncadd.s32 @!p0 s1  }
0x207: {  	[bflag:$0x3] =	sbarrier.arrive $0xFFFF  }
0x208: {  	_ =	shalt  }

</sc_bundles>
